<compile_context>
chip_gen: v7x
topology: tpu7x:2x2x1
jax: 0.10.2.dev20260603
libtpu: 0.0.44.dev20260713+nightly
codegen_flags: <defaults>
</compile_context>

<pallas_src>
import functools

import jax
import jax.numpy as jnp
from jax import lax
from jax.experimental import pallas as pl
from jax.experimental.pallas import tpu as pltpu
from jax.experimental.pallas import tpu_sc as plsc

_WINDOW = 64
_TOP_K = 8
_LANES = 16


def _tc_dense_kernel(hid_ref, w_hbm_ref, b_ref, comb_ref, logits_ref,
                     x_vmem, w_vmem, sem_x, sem_w, sem_out):
    B = comb_ref.shape[0]
    S = hid_ref.shape[1]
    cps_in = [
        pltpu.make_async_copy(
            hid_ref.at[bb, S - _WINDOW:, :], x_vmem.at[bb], sem_x.at[bb])
        for bb in range(B)
    ]
    cp_w = pltpu.make_async_copy(w_hbm_ref, w_vmem, sem_w)
    for cp in cps_in:
        cp.start()
    cp_w.start()
    cps_out = []
    for bb, cp in enumerate(cps_in):
        cp.wait()
        cp_out = pltpu.make_async_copy(
            x_vmem.at[bb], comb_ref.at[bb], sem_out.at[bb])
        cp_out.start()
        cps_out.append(cp_out)
    pooled = jnp.mean(x_vmem[...], axis=1)
    cp_w.wait()
    logits_ref[...] = jax.lax.dot_general(
        pooled, w_vmem[...],
        dimension_numbers=(((1,), (1,)), ((), ())),
        preferred_element_type=jnp.float32,
    ) + b_ref[...]
    for cp in cps_out:
        cp.wait()


def _bfly(v, op, lanes):
    for sh in (8, 4, 2, 1):
        idx = jnp.bitwise_and(lanes + sh, _LANES - 1)
        shuf = lax.gather(
            v, idx[:, None],
            dimension_numbers=lax.GatherDimensionNumbers(
                offset_dims=(), collapsed_slice_dims=(0,),
                start_index_map=(0,)),
            slice_sizes=(1,),
            mode=lax.GatherScatterMode.PROMISE_IN_BOUNDS)
        v = op(v, shuf)
    return v


def _sc_router_body(logits_hbm, idx_hbm, wts_hbm, row_v, idx_v, wts_v):
    B = logits_hbm.shape[0]
    C = logits_hbm.shape[1]
    n_vregs = C // _LANES
    wid = lax.axis_index("c") * _LANES + lax.axis_index("s")

    @pl.when(wid < B)
    def _():
        pltpu.sync_copy(logits_hbm.at[wid], row_v)
        lanes = lax.iota(jnp.int32, _LANES)
        vs = [row_v[pl.ds(_LANES * j, _LANES)] for j in range(n_vregs)]
        neg = jnp.float32(-3.0e38)
        big = jnp.int32(1 << 30)
        idx_acc = jnp.zeros((_LANES,), jnp.int32)
        val_acc = jnp.zeros((_LANES,), jnp.float32)
        m0 = jnp.zeros((_LANES,), jnp.float32)
        for k in range(_TOP_K):
            mm = vs[0]
            for j in range(1, n_vregs):
                mm = jnp.maximum(mm, vs[j])
            m = _bfly(mm, jnp.maximum, lanes)
            cands = [
                jnp.where(vs[j] == m, lanes + _LANES * j, big)
                for j in range(n_vregs)
            ]
            cmin = cands[0]
            for j in range(1, n_vregs):
                cmin = jnp.minimum(cmin, cands[j])
            gidx = _bfly(cmin, jnp.minimum, lanes)
            if k == 0:
                m0 = m
            idx_acc = jnp.where(lanes == k, gidx, idx_acc)
            val_acc = jnp.where(lanes == k, m, val_acc)
            vs = [
                jnp.where(lanes + _LANES * j == gidx, neg, vs[j])
                for j in range(n_vregs)
            ]
        e = jnp.where(lanes < _TOP_K, jnp.exp(val_acc - m0), jnp.float32(0.0))
        s = _bfly(e, jnp.add, lanes)
        idx_v[...] = idx_acc
        wts_v[...] = e / s
        pltpu.sync_copy(idx_v, idx_hbm.at[wid])
        pltpu.sync_copy(wts_v, wts_hbm.at[wid])


def _sc_router(logits):
    B, C = logits.shape
    mesh = plsc.VectorSubcoreMesh(core_axis_name="c", subcore_axis_name="s")
    k = pl.kernel(
        _sc_router_body,
        mesh=mesh,
        out_type=[
            jax.ShapeDtypeStruct((B, _LANES), jnp.int32),
            jax.ShapeDtypeStruct((B, _LANES), jnp.float32),
        ],
        scratch_types=[
            pltpu.VMEM((C,), jnp.float32),
            pltpu.VMEM((_LANES,), jnp.int32),
            pltpu.VMEM((_LANES,), jnp.float32),
        ],
    )
    return k(logits)


@functools.partial(jax.jit, static_argnums=())
def kernel(hidden_states, cached_states, W, b):
    del cached_states
    B, S, H = hidden_states.shape
    C = W.shape[0]
    combined, logits = pl.pallas_call(
        _tc_dense_kernel,
        grid=(1,),
        in_specs=[
            pl.BlockSpec(memory_space=pl.ANY),
            pl.BlockSpec(memory_space=pl.ANY),
            pl.BlockSpec((1, C), lambda i: (0, 0)),
        ],
        out_specs=[
            pl.BlockSpec(memory_space=pl.ANY),
            pl.BlockSpec((B, C), lambda i: (0, 0)),
        ],
        out_shape=[
            jax.ShapeDtypeStruct((B, _WINDOW, H), jnp.float32),
            jax.ShapeDtypeStruct((B, C), jnp.float32),
        ],
        scratch_shapes=[
            pltpu.VMEM((B, _WINDOW, H), jnp.float32),
            pltpu.VMEM((C, H), jnp.float32),
            pltpu.SemaphoreType.DMA((B,)),
            pltpu.SemaphoreType.DMA,
            pltpu.SemaphoreType.DMA((B,)),
        ],
    )(hidden_states, W, b.reshape(1, C))
    idx16, wts16 = _sc_router(logits)
    return (idx16[:, :_TOP_K], wts16[:, :_TOP_K], combined)

# --- scband reference (transcript-rebuilt; emitter-appended) ---
"""Pipeline reference for scband-rolling-router-83519934038046 (READ-ONLY COPY).

The authoritative reference and input builder live on the scoring server;
editing this copy changes nothing except your own understanding.
"""

import jax, jax.numpy as jnp
import numpy as np

WINDOW_SIZE = 64
TOP_K = 8
HIDDEN_DIM = 4096
NUM_CHAPTERS = 64


def setup_inputs(seed: int = 0) -> dict:
    key = jax.random.key(seed)
    k1, k2, k3 = jax.random.split(key, 3)
    hidden_states = jax.random.normal(k1, (4, 2048, HIDDEN_DIM), dtype=jnp.float32)
    cached_states = jax.random.normal(k2, (4, WINDOW_SIZE, HIDDEN_DIM), dtype=jnp.float32)
    # Router linear params (torch nn.Linear: weight [out, in], bias [out])
    W = jax.random.normal(k3, (NUM_CHAPTERS, HIDDEN_DIM), dtype=jnp.float32) * 0.02
    b = jnp.zeros((NUM_CHAPTERS,), dtype=jnp.float32)
    return {"hidden_states": hidden_states, "cached_states": cached_states, "W": W, "b": b}


def reference(hidden_states, cached_states, W, b):
    # concat cache + current along seq dim
    combined = jnp.concatenate([cached_states, hidden_states], axis=1)
    # rolling window truncation to last window_size tokens
    if combined.shape[1] > WINDOW_SIZE:
        combined = combined[:, -WINDOW_SIZE:]
    # mean-pool over window
    pooled = combined.mean(axis=1)
    # linear router: pooled @ W.T + b
    router_logits = pooled @ W.T + b
    router_probs = jax.nn.softmax(router_logits, axis=-1)
    top_k_weights, top_k_indices = jax.lax.top_k(router_probs, TOP_K)
    top_k_weights = top_k_weights / jnp.sum(top_k_weights, axis=-1, keepdims=True)
    return (top_k_indices, top_k_weights, combined)

if __name__ == "__main__":
    import jax
    _d = setup_inputs()
    print(jax.jit(kernel)(*tuple(_d.values())))

</pallas_src>

<mosaic_0001>
#map = affine_map<(d0, d1) -> (0, 0)>
module attributes {stable_mosaic.version = 14 : i64} {
  func.func @_sc_router_body(%arg0: i32, %arg1: i32, %arg2: memref<4x64xf32, #tpu.memory_space<hbm>>, %arg3: memref<4x16xi32, #tpu.memory_space<hbm>>, %arg4: memref<4x16xf32, #tpu.memory_space<hbm>>, %arg5: memref<64xf32, #tpu.memory_space<vmem>>, %arg6: memref<16xi32, #tpu.memory_space<vmem>>, %arg7: memref<16xf32, #tpu.memory_space<vmem>>) attributes {dimension_semantics = [#tpu.dimension_semantics<core_parallel>, #tpu.dimension_semantics<subcore_parallel>], iteration_bounds = array<i64: 2, 16>, scalar_prefetch = 0 : i64, scratch_operands = 3 : i64, tpu.core_type = #tpu.core_type<sc_vector_subcore>, window_params = [{transform_indices = #map}, {transform_indices = #map}, {transform_indices = #map}]} {
    %mul3A = arith.constant 16 : i32
    %mul3A_0 = arith.muli %arg0, %mul3A : i32
    %add3A = arith.addi %mul3A_0, %arg1 : i32
    %lt3A = arith.constant 4 : i32
    %lt3A_1 = arith.cmpi slt, %add3A, %lt3A : i32
    %convert_element_type3A = arith.extui %lt3A_1 : i1 to i32
    %cond3A = arith.constant 0 : i32
    %cond3A_2 = arith.cmpi ne, %convert_element_type3A, %cond3A : i32
    scf.if %cond3A_2 {
      "tpu.region"() ({
        %run_scoped3A = tpu.sem_alloc : memref<!tpu.dma_semaphore, #tpu.memory_space<semaphore_mem>>
        %dma_start3A = arith.constant 0 : i32
        %dma_start3A_1265 = tpu.memref_slice %arg2[%add3A, %dma_start3A] : memref<4x64xf32, #tpu.memory_space<hbm>> -> memref<1x64xf32, #tpu.memory_space<hbm>>
        %dma_start3A_1266 = tpu.memref_squeeze %dma_start3A_1265 : memref<1x64xf32, #tpu.memory_space<hbm>> -> memref<64xf32, #tpu.memory_space<hbm>>
        %dma_start3A_1267 = arith.constant 0 : i32
        %dma_start3A_1268 = tpu.memref_slice %arg2[%add3A, %dma_start3A_1267] : memref<4x64xf32, #tpu.memory_space<hbm>> -> memref<1x64xf32, #tpu.memory_space<hbm>>
        %dma_start3A_1269 = tpu.memref_squeeze %dma_start3A_1268 : memref<1x64xf32, #tpu.memory_space<hbm>> -> memref<64xf32, #tpu.memory_space<hbm>>
        tpu.enqueue_dma source(%dma_start3A_1269 : memref<64xf32, #tpu.memory_space<hbm>>) target(%arg5 : memref<64xf32, #tpu.memory_space<vmem>>) target_semaphore(%run_scoped3A : memref<!tpu.dma_semaphore, #tpu.memory_space<semaphore_mem>>)
        %dma_wait3A = arith.constant 0 : i32
        %dma_wait3A_1270 = tpu.memref_slice %arg2[%add3A, %dma_wait3A] : memref<4x64xf32, #tpu.memory_space<hbm>> -> memref<1x64xf32, #tpu.memory_space<hbm>>
        %dma_wait3A_1271 = tpu.memref_squeeze %dma_wait3A_1270 : memref<1x64xf32, #tpu.memory_space<hbm>> -> memref<64xf32, #tpu.memory_space<hbm>>
        %dma_wait3A_1272 = arith.constant 0 : i32
        %dma_wait3A_1273 = tpu.memref_slice %arg2[%add3A, %dma_wait3A_1272] : memref<4x64xf32, #tpu.memory_space<hbm>> -> memref<1x64xf32, #tpu.memory_space<hbm>>
        %dma_wait3A_1274 = tpu.memref_squeeze %dma_wait3A_1273 : memref<1x64xf32, #tpu.memory_space<hbm>> -> memref<64xf32, #tpu.memory_space<hbm>>
        tpu.wait_dma2 semaphore(%run_scoped3A : memref<!tpu.dma_semaphore, #tpu.memory_space<semaphore_mem>>) src(%dma_wait3A_1274 : memref<64xf32, #tpu.memory_space<hbm>>) dst(%arg5 : memref<64xf32, #tpu.memory_space<vmem>>)
        tpu.yield
      }) : () -> ()
      %iota3A = tpu.iota {dimensions = array<i32: 0>} : vector<16xi32>
      %get3A = arith.constant 0 : index
      %get3A_3 = tpu.vector_load %arg5[%get3A] {strides = array<i32>} : memref<64xf32, #tpu.memory_space<vmem>>, vector<16xf32>,
      %get3A_4 = vector.shape_cast %get3A_3 : vector<16xf32> to vector<16xf32>
      %get3A_5 = arith.constant 16 : index
      %get3A_6 = tpu.vector_load %arg5[%get3A_5] {strides = array<i32>} : memref<64xf32, #tpu.memory_space<vmem>>, vector<16xf32>,
      %get3A_7 = vector.shape_cast %get3A_6 : vector<16xf32> to vector<16xf32>
      %get3A_8 = arith.constant 32 : index
      %get3A_9 = tpu.vector_load %arg5[%get3A_8] {strides = array<i32>} : memref<64xf32, #tpu.memory_space<vmem>>, vector<16xf32>,
      %get3A_10 = vector.shape_cast %get3A_9 : vector<16xf32> to vector<16xf32>
      %get3A_11 = arith.constant 48 : index
      %get3A_12 = tpu.vector_load %arg5[%get3A_11] {strides = array<i32>} : memref<64xf32, #tpu.memory_space<vmem>>, vector<16xf32>,
      %get3A_13 = vector.shape_cast %get3A_12 : vector<16xf32> to vector<16xf32>
      %broadcast_in_dim3A = arith.constant 0 : i32
      %broadcast_in_dim3A_14 = vector.broadcast %broadcast_in_dim3A : i32 to vector<16xi32>
      %broadcast_in_dim3A_15 = arith.constant 0.000000e+00 : f32
      %broadcast_in_dim3A_16 = vector.broadcast %broadcast_in_dim3A_15 : f32 to vector<16xf32>
      %broadcast_in_dim3A_17 = arith.constant 0.000000e+00 : f32
      %broadcast_in_dim3A_18 = vector.broadcast %broadcast_in_dim3A_17 : f32 to vector<16xf32>
      %max3A = arith.maximumf %get3A_4, %get3A_7 : vector<16xf32>
      %max3A_19 = arith.maximumf %max3A, %get3A_10 : vector<16xf32>
      %max3A_20 = arith.maximumf %max3A_19, %get3A_13 : vector<16xf32>
      %add3A_21 = arith.constant 8 : i32
      %add3A_22 = vector.broadcast %add3A_21 : i32 to vector<16xi32>
      %add3A_23 = arith.addi %iota3A, %add3A_22 : vector<16xi32>
      %and3A = arith.constant 15 : i32
      %and3A_24 = vector.broadcast %and3A : i32 to vector<16xi32>
      %and3A_25 = arith.andi %add3A_23, %and3A_24 : vector<16xi32>
      %broadcast_in_dim3A_26 = vector.shape_cast %and3A_25 : vector<16xi32> to vector<16x1xi32>
      %gather3A = vector.shape_cast %broadcast_in_dim3A_26 : vector<16x1xi32> to vector<16xi32>
      %gather3A_27 = tpu.dynamic_gather %max3A_20[%gather3A] in [0] : vector<16xf32>, vector<16xi32> -> vector<16xf32>
      %max3A_28 = arith.maximumf %max3A_20, %gather3A_27 : vector<16xf32>
      %add3A_29 = arith.constant 4 : i32
      %add3A_30 = vector.broadcast %add3A_29 : i32 to vector<16xi32>
      %add3A_31 = arith.addi %iota3A, %add3A_30 : vector<16xi32>
      %and3A_32 = arith.constant 15 : i32
      %and3A_33 = vector.broadcast %and3A_32 : i32 to vector<16xi32>
      %and3A_34 = arith.andi %add3A_31, %and3A_33 : vector<16xi32>
      %broadcast_in_dim3A_35 = vector.shape_cast %and3A_34 : vector<16xi32> to vector<16x1xi32>
      %gather3A_36 = vector.shape_cast %broadcast_in_dim3A_35 : vector<16x1xi32> to vector<16xi32>
      %gather3A_37 = tpu.dynamic_gather %max3A_28[%gather3A_36] in [0] : vector<16xf32>, vector<16xi32> -> vector<16xf32>
      %max3A_38 = arith.maximumf %max3A_28, %gather3A_37 : vector<16xf32>
      %add3A_39 = arith.constant 2 : i32
      %add3A_40 = vector.broadcast %add3A_39 : i32 to vector<16xi32>
      %add3A_41 = arith.addi %iota3A, %add3A_40 : vector<16xi32>
      %and3A_42 = arith.constant 15 : i32
      %and3A_43 = vector.broadcast %and3A_42 : i32 to vector<16xi32>
      %and3A_44 = arith.andi %add3A_41, %and3A_43 : vector<16xi32>
      %broadcast_in_dim3A_45 = vector.shape_cast %and3A_44 : vector<16xi32> to vector<16x1xi32>
      %gather3A_46 = vector.shape_cast %broadcast_in_dim3A_45 : vector<16x1xi32> to vector<16xi32>
      %gather3A_47 = tpu.dynamic_gather %max3A_38[%gather3A_46] in [0] : vector<16xf32>, vector<16xi32> -> vector<16xf32>
      %max3A_48 = arith.maximumf %max3A_38, %gather3A_47 : vector<16xf32>
      %add3A_49 = arith.constant 1 : i32
      %add3A_50 = vector.broadcast %add3A_49 : i32 to vector<16xi32>
      %add3A_51 = arith.addi %iota3A, %add3A_50 : vector<16xi32>
      %and3A_52 = arith.constant 15 : i32
      %and3A_53 = vector.broadcast %and3A_52 : i32 to vector<16xi32>
      %and3A_54 = arith.andi %add3A_51, %and3A_53 : vector<16xi32>
      %broadcast_in_dim3A_55 = vector.shape_cast %and3A_54 : vector<16xi32> to vector<16x1xi32>
      %gather3A_56 = vector.shape_cast %broadcast_in_dim3A_55 : vector<16x1xi32> to vector<16xi32>
      %gather3A_57 = tpu.dynamic_gather %max3A_48[%gather3A_56] in [0] : vector<16xf32>, vector<16xi32> -> vector<16xf32>
      %max3A_58 = arith.maximumf %max3A_48, %gather3A_57 : vector<16xf32>
      %eq3A = arith.cmpf oeq, %get3A_4, %max3A_58 : vector<16xf32>
      %add3A_59 = arith.constant 0 : i32
      %add3A_60 = vector.broadcast %add3A_59 : i32 to vector<16xi32>
      %add3A_61 = arith.addi %iota3A, %add3A_60 : vector<16xi32>
      %jit3A = arith.constant 1073741824 : i32
      %broadcast_in_dim3A_62 = vector.broadcast %jit3A : i32 to vector<16xi32>
      %select_n3A = arith.select %eq3A, %add3A_61, %broadcast_in_dim3A_62 : vector<16xi1>, vector<16xi32>
      %eq3A_63 = arith.cmpf oeq, %get3A_7, %max3A_58 : vector<16xf32>
      %add3A_64 = arith.constant 16 : i32
      %add3A_65 = vector.broadcast %add3A_64 : i32 to vector<16xi32>
      %add3A_66 = arith.addi %iota3A, %add3A_65 : vector<16xi32>
      %jit3A_67 = arith.constant 1073741824 : i32
      %broadcast_in_dim3A_68 = vector.broadcast %jit3A_67 : i32 to vector<16xi32>
      %select_n3A_69 = arith.select %eq3A_63, %add3A_66, %broadcast_in_dim3A_68 : vector<16xi1>, vector<16xi32>
      %eq3A_70 = arith.cmpf oeq, %get3A_10, %max3A_58 : vector<16xf32>
      %add3A_71 = arith.constant 32 : i32
      %add3A_72 = vector.broadcast %add3A_71 : i32 to vector<16xi32>
      %add3A_73 = arith.addi %iota3A, %add3A_72 : vector<16xi32>
      %jit3A_74 = arith.constant 1073741824 : i32
      %broadcast_in_dim3A_75 = vector.broadcast %jit3A_74 : i32 to vector<16xi32>
      %select_n3A_76 = arith.select %eq3A_70, %add3A_73, %broadcast_in_dim3A_75 : vector<16xi1>, vector<16xi32>
      %eq3A_77 = arith.cmpf oeq, %get3A_13, %max3A_58 : vector<16xf32>
      %add3A_78 = arith.constant 48 : i32
      %add3A_79 = vector.broadcast %add3A_78 : i32 to vector<16xi32>
      %add3A_80 = arith.addi %iota3A, %add3A_79 : vector<16xi32>
      %jit3A_81 = arith.constant 1073741824 : i32
      %broadcast_in_dim3A_82 = vector.broadcast %jit3A_81 : i32 to vector<16xi32>
      %select_n3A_83 = arith.select %eq3A_77, %add3A_80, %broadcast_in_dim3A_82 : vector<16xi1>, vector<16xi32>
      %min3A = arith.minsi %select_n3A, %select_n3A_69 : vector<16xi32>
      %min3A_84 = arith.minsi %min3A, %select_n3A_76 : vector<16xi32>
      %min3A_85 = arith.minsi %min3A_84, %select_n3A_83 : vector<16xi32>
      %add3A_86 = arith.constant 8 : i32
      %add3A_87 = vector.broadcast %add3A_86 : i32 to vector<16xi32>
      %add3A_88 = arith.addi %iota3A, %add3A_87 : vector<16xi32>
      %and3A_89 = arith.constant 15 : i32
      %and3A_90 = vector.broadcast %and3A_89 : i32 to vector<16xi32>
      %and3A_91 = arith.andi %add3A_88, %and3A_90 : vector<16xi32>
      %broadcast_in_dim3A_92 = vector.shape_cast %and3A_91 : vector<16xi32> to vector<16x1xi32>
      %gather3A_93 = vector.shape_cast %broadcast_in_dim3A_92 : vector<16x1xi32> to vector<16xi32>
      %gather3A_94 = tpu.dynamic_gather %min3A_85[%gather3A_93] in [0] : vector<16xi32>, vector<16xi32> -> vector<16xi32>
      %min3A_95 = arith.minsi %min3A_85, %gather3A_94 : vector<16xi32>
      %add3A_96 = arith.constant 4 : i32
      %add3A_97 = vector.broadcast %add3A_96 : i32 to vector<16xi32>
      %add3A_98 = arith.addi %iota3A, %add3A_97 : vector<16xi32>
      %and3A_99 = arith.constant 15 : i32
      %and3A_100 = vector.broadcast %and3A_99 : i32 to vector<16xi32>
      %and3A_101 = arith.andi %add3A_98, %and3A_100 : vector<16xi32>
      %broadcast_in_dim3A_102 = vector.shape_cast %and3A_101 : vector<16xi32> to vector<16x1xi32>
      %gather3A_103 = vector.shape_cast %broadcast_in_dim3A_102 : vector<16x1xi32> to vector<16xi32>
      %gather3A_104 = tpu.dynamic_gather %min3A_95[%gather3A_103] in [0] : vector<16xi32>, vector<16xi32> -> vector<16xi32>
      %min3A_105 = arith.minsi %min3A_95, %gather3A_104 : vector<16xi32>
      %add3A_106 = arith.constant 2 : i32
      %add3A_107 = vector.broadcast %add3A_106 : i32 to vector<16xi32>
      %add3A_108 = arith.addi %iota3A, %add3A_107 : vector<16xi32>
      %and3A_109 = arith.constant 15 : i32
      %and3A_110 = vector.broadcast %and3A_109 : i32 to vector<16xi32>
      %and3A_111 = arith.andi %add3A_108, %and3A_110 : vector<16xi32>
      %broadcast_in_dim3A_112 = vector.shape_cast %and3A_111 : vector<16xi32> to vector<16x1xi32>
      %gather3A_113 = vector.shape_cast %broadcast_in_dim3A_112 : vector<16x1xi32> to vector<16xi32>
      %gather3A_114 = tpu.dynamic_gather %min3A_105[%gather3A_113] in [0] : vector<16xi32>, vector<16xi32> -> vector<16xi32>
      %min3A_115 = arith.minsi %min3A_105, %gather3A_114 : vector<16xi32>
      %add3A_116 = arith.constant 1 : i32
      %add3A_117 = vector.broadcast %add3A_116 : i32 to vector<16xi32>
      %add3A_118 = arith.addi %iota3A, %add3A_117 : vector<16xi32>
      %and3A_119 = arith.constant 15 : i32
      %and3A_120 = vector.broadcast %and3A_119 : i32 to vector<16xi32>
      %and3A_121 = arith.andi %add3A_118, %and3A_120 : vector<16xi32>
      %broadcast_in_dim3A_122 = vector.shape_cast %and3A_121 : vector<16xi32> to vector<16x1xi32>
      %gather3A_123 = vector.shape_cast %broadcast_in_dim3A_122 : vector<16x1xi32> to vector<16xi32>
      %gather3A_124 = tpu.dynamic_gather %min3A_115[%gather3A_123] in [0] : vector<16xi32>, vector<16xi32> -> vector<16xi32>
      %min3A_125 = arith.minsi %min3A_115, %gather3A_124 : vector<16xi32>
      %eq3A_126 = arith.constant 0 : i32
      %eq3A_127 = vector.broadcast %eq3A_126 : i32 to vector<16xi32>
      %eq3A_128 = arith.cmpi eq, %iota3A, %eq3A_127 : vector<16xi32>
      %select_n3A_129 = arith.select %eq3A_128, %min3A_125, %broadcast_in_dim3A_14 : vector<16xi1>, vector<16xi32>
      %eq3A_130 = arith.constant 0 : i32
      %eq3A_131 = vector.broadcast %eq3A_130 : i32 to vector<16xi32>
      %eq3A_132 = arith.cmpi eq, %iota3A, %eq3A_131 : vector<16xi32>
      %select_n3A_133 = arith.select %eq3A_132, %max3A_58, %broadcast_in_dim3A_16 : vector<16xi1>, vector<16xf32>
      %add3A_134 = arith.constant 0 : i32
      %add3A_135 = vector.broadcast %add3A_134 : i32 to vector<16xi32>
      %add3A_136 = arith.addi %iota3A, %add3A_135 : vector<16xi32>
      %eq3A_137 = arith.cmpi eq, %add3A_136, %min3A_125 : vector<16xi32>
      %jit3A_138 = arith.constant -3.000000e+38 : f32
      %broadcast_in_dim3A_139 = vector.broadcast %jit3A_138 : f32 to vector<16xf32>
      %select_n3A_140 = arith.select %eq3A_137, %broadcast_in_dim3A_139, %get3A_4 : vector<16xi1>, vector<16xf32>
      %add3A_141 = arith.constant 16 : i32
      %add3A_142 = vector.broadcast %add3A_141 : i32 to vector<16xi32>
      %add3A_143 = arith.addi %iota3A, %add3A_142 : vector<16xi32>
      %eq3A_144 = arith.cmpi eq, %add3A_143, %min3A_125 : vector<16xi32>
      %jit3A_145 = arith.constant -3.000000e+38 : f32
      %broadcast_in_dim3A_146 = vector.broadcast %jit3A_145 : f32 to vector<16xf32>
      %select_n3A_147 = arith.select %eq3A_144, %broadcast_in_dim3A_146, %get3A_7 : vector<16xi1>, vector<16xf32>
      %add3A_148 = arith.constant 32 : i32
      %add3A_149 = vector.broadcast %add3A_148 : i32 to vector<16xi32>
      %add3A_150 = arith.addi %iota3A, %add3A_149 : vector<16xi32>
      %eq3A_151 = arith.cmpi eq, %add3A_150, %min3A_125 : vector<16xi32>
      %jit3A_152 = arith.constant -3.000000e+38 : f32
      %broadcast_in_dim3A_153 = vector.broadcast %jit3A_152 : f32 to vector<16xf32>
      %select_n3A_154 = arith.select %eq3A_151, %broadcast_in_dim3A_153, %get3A_10 : vector<16xi1>, vector<16xf32>
      %add3A_155 = arith.constant 48 : i32
      %add3A_156 = vector.broadcast %add3A_155 : i32 to vector<16xi32>
      %add3A_157 = arith.addi %iota3A, %add3A_156 : vector<16xi32>
      %eq3A_158 = arith.cmpi eq, %add3A_157, %min3A_125 : vector<16xi32>
      %jit3A_159 = arith.constant -3.000000e+38 : f32
      %broadcast_in_dim3A_160 = vector.broadcast %jit3A_159 : f32 to vector<16xf32>
      %select_n3A_161 = arith.select %eq3A_158, %broadcast_in_dim3A_160, %get3A_13 : vector<16xi1>, vector<16xf32>
      %max3A_162 = arith.maximumf %select_n3A_140, %select_n3A_147 : vector<16xf32>
      %max3A_163 = arith.maximumf %max3A_162, %select_n3A_154 : vector<16xf32>
      %max3A_164 = arith.maximumf %max3A_163, %select_n3A_161 : vector<16xf32>
      %add3A_165 = arith.constant 8 : i32
      %add3A_166 = vector.broadcast %add3A_165 : i32 to vector<16xi32>
      %add3A_167 = arith.addi %iota3A, %add3A_166 : vector<16xi32>
      %and3A_168 = arith.constant 15 : i32
      %and3A_169 = vector.broadcast %and3A_168 : i32 to vector<16xi32>
      %and3A_170 = arith.andi %add3A_167, %and3A_169 : vector<16xi32>
      %broadcast_in_dim3A_171 = vector.shape_cast %and3A_170 : vector<16xi32> to vector<16x1xi32>
      %gather3A_172 = vector.shape_cast %broadcast_in_dim3A_171 : vector<16x1xi32> to vector<16xi32>
      %gather3A_173 = tpu.dynamic_gather %max3A_164[%gather3A_172] in [0] : vector<16xf32>, vector<16xi32> -> vector<16xf32>
      %max3A_174 = arith.maximumf %max3A_164, %gather3A_173 : vector<16xf32>
      %add3A_175 = arith.constant 4 : i32
      %add3A_176 = vector.broadcast %add3A_175 : i32 to vector<16xi32>
      %add3A_177 = arith.addi %iota3A, %add3A_176 : vector<16xi32>
      %and3A_178 = arith.constant 15 : i32
      %and3A_179 = vector.broadcast %and3A_178 : i32 to vector<16xi32>
      %and3A_180 = arith.andi %add3A_177, %and3A_179 : vector<16xi32>
      %broadcast_in_dim3A_181 = vector.shape_cast %and3A_180 : vector<16xi32> to vector<16x1xi32>
      %gather3A_182 = vector.shape_cast %broadcast_in_dim3A_181 : vector<16x1xi32> to vector<16xi32>
      %gather3A_183 = tpu.dynamic_gather %max3A_174[%gather3A_182] in [0] : vector<16xf32>, vector<16xi32> -> vector<16xf32>
      %max3A_184 = arith.maximumf %max3A_174, %gather3A_183 : vector<16xf32>
      %add3A_185 = arith.constant 2 : i32
      %add3A_186 = vector.broadcast %add3A_185 : i32 to vector<16xi32>
      %add3A_187 = arith.addi %iota3A, %add3A_186 : vector<16xi32>
      %and3A_188 = arith.constant 15 : i32
      %and3A_189 = vector.broadcast %and3A_188 : i32 to vector<16xi32>
      %and3A_190 = arith.andi %add3A_187, %and3A_189 : vector<16xi32>
      %broadcast_in_dim3A_191 = vector.shape_cast %and3A_190 : vector<16xi32> to vector<16x1xi32>
      %gather3A_192 = vector.shape_cast %broadcast_in_dim3A_191 : vector<16x1xi32> to vector<16xi32>
      %gather3A_193 = tpu.dynamic_gather %max3A_184[%gather3A_192] in [0] : vector<16xf32>, vector<16xi32> -> vector<16xf32>
      %max3A_194 = arith.maximumf %max3A_184, %gather3A_193 : vector<16xf32>
      %add3A_195 = arith.constant 1 : i32
      %add3A_196 = vector.broadcast %add3A_195 : i32 to vector<16xi32>
      %add3A_197 = arith.addi %iota3A, %add3A_196 : vector<16xi32>
      %and3A_198 = arith.constant 15 : i32
      %and3A_199 = vector.broadcast %and3A_198 : i32 to vector<16xi32>
      %and3A_200 = arith.andi %add3A_197, %and3A_199 : vector<16xi32>
      %broadcast_in_dim3A_201 = vector.shape_cast %and3A_200 : vector<16xi32> to vector<16x1xi32>
      %gather3A_202 = vector.shape_cast %broadcast_in_dim3A_201 : vector<16x1xi32> to vector<16xi32>
      %gather3A_203 = tpu.dynamic_gather %max3A_194[%gather3A_202] in [0] : vector<16xf32>, vector<16xi32> -> vector<16xf32>
      %max3A_204 = arith.maximumf %max3A_194, %gather3A_203 : vector<16xf32>
      %eq3A_205 = arith.cmpf oeq, %select_n3A_140, %max3A_204 : vector<16xf32>
      %add3A_206 = arith.constant 0 : i32
      %add3A_207 = vector.broadcast %add3A_206 : i32 to vector<16xi32>
      %add3A_208 = arith.addi %iota3A, %add3A_207 : vector<16xi32>
      %jit3A_209 = arith.constant 1073741824 : i32
      %broadcast_in_dim3A_210 = vector.broadcast %jit3A_209 : i32 to vector<16xi32>
      %select_n3A_211 = arith.select %eq3A_205, %add3A_208, %broadcast_in_dim3A_210 : vector<16xi1>, vector<16xi32>
      %eq3A_212 = arith.cmpf oeq, %select_n3A_147, %max3A_204 : vector<16xf32>
      %add3A_213 = arith.constant 16 : i32
      %add3A_214 = vector.broadcast %add3A_213 : i32 to vector<16xi32>
      %add3A_215 = arith.addi %iota3A, %add3A_214 : vector<16xi32>
      %jit3A_216 = arith.constant 1073741824 : i32
      %broadcast_in_dim3A_217 = vector.broadcast %jit3A_216 : i32 to vector<16xi32>
      %select_n3A_218 = arith.select %eq3A_212, %add3A_215, %broadcast_in_dim3A_217 : vector<16xi1>, vector<16xi32>
      %eq3A_219 = arith.cmpf oeq, %select_n3A_154, %max3A_204 : vector<16xf32>
      %add3A_220 = arith.constant 32 : i32
      %add3A_221 = vector.broadcast %add3A_220 : i32 to vector<16xi32>
      %add3A_222 = arith.addi %iota3A, %add3A_221 : vector<16xi32>
      %jit3A_223 = arith.constant 1073741824 : i32
      %broadcast_in_dim3A_224 = vector.broadcast %jit3A_223 : i32 to vector<16xi32>
      %select_n3A_225 = arith.select %eq3A_219, %add3A_222, %broadcast_in_dim3A_224 : vector<16xi1>, vector<16xi32>
      %eq3A_226 = arith.cmpf oeq, %select_n3A_161, %max3A_204 : vector<16xf32>
      %add3A_227 = arith.constant 48 : i32
      %add3A_228 = vector.broadcast %add3A_227 : i32 to vector<16xi32>
      %add3A_229 = arith.addi %iota3A, %add3A_228 : vector<16xi32>
      %jit3A_230 = arith.constant 1073741824 : i32
      %broadcast_in_dim3A_231 = vector.broadcast %jit3A_230 : i32 to vector<16xi32>
      %select_n3A_232 = arith.select %eq3A_226, %add3A_229, %broadcast_in_dim3A_231 : vector<16xi1>, vector<16xi32>
      %min3A_233 = arith.minsi %select_n3A_211, %select_n3A_218 : vector<16xi32>
      %min3A_234 = arith.minsi %min3A_233, %select_n3A_225 : vector<16xi32>
      %min3A_235 = arith.minsi %min3A_234, %select_n3A_232 : vector<16xi32>
      %add3A_236 = arith.constant 8 : i32
      %add3A_237 = vector.broadcast %add3A_236 : i32 to vector<16xi32>
      %add3A_238 = arith.addi %iota3A, %add3A_237 : vector<16xi32>
      %and3A_239 = arith.constant 15 : i32
      %and3A_240 = vector.broadcast %and3A_239 : i32 to vector<16xi32>
      %and3A_241 = arith.andi %add3A_238, %and3A_240 : vector<16xi32>
      %broadcast_in_dim3A_242 = vector.shape_cast %and3A_241 : vector<16xi32> to vector<16x1xi32>
      %gather3A_243 = vector.shape_cast %broadcast_in_dim3A_242 : vector<16x1xi32> to vector<16xi32>
      %gather3A_244 = tpu.dynamic_gather %min3A_235[%gather3A_243] in [0] : vector<16xi32>, vector<16xi32> -> vector<16xi32>
      %min3A_245 = arith.minsi %min3A_235, %gather3A_244 : vector<16xi32>
      %add3A_246 = arith.constant 4 : i32
      %add3A_247 = vector.broadcast %add3A_246 : i32 to vector<16xi32>
      %add3A_248 = arith.addi %iota3A, %add3A_247 : vector<16xi32>
      %and3A_249 = arith.constant 15 : i32
      %and3A_250 = vector.broadcast %and3A_249 : i32 to vector<16xi32>
      %and3A_251 = arith.andi %add3A_248, %and3A_250 : vector<16xi32>
      %broadcast_in_dim3A_252 = vector.shape_cast %and3A_251 : vector<16xi32> to vector<16x1xi32>
      %gather3A_253 = vector.shape_cast %broadcast_in_dim3A_252 : vector<16x1xi32> to vector<16xi32>
      %gather3A_254 = tpu.dynamic_gather %min3A_245[%gather3A_253] in [0] : vector<16xi32>, vector<16xi32> -> vector<16xi32>
      %min3A_255 = arith.minsi %min3A_245, %gather3A_254 : vector<16xi32>
      %add3A_256 = arith.constant 2 : i32
      %add3A_257 = vector.broadcast %add3A_256 : i32 to vector<16xi32>
      %add3A_258 = arith.addi %iota3A, %add3A_257 : vector<16xi32>
      %and3A_259 = arith.constant 15 : i32
      %and3A_260 = vector.broadcast %and3A_259 : i32 to vector<16xi32>
      %and3A_261 = arith.andi %add3A_258, %and3A_260 : vector<16xi32>
      %broadcast_in_dim3A_262 = vector.shape_cast %and3A_261 : vector<16xi32> to vector<16x1xi32>
      %gather3A_263 = vector.shape_cast %broadcast_in_dim3A_262 : vector<16x1xi32> to vector<16xi32>
      %gather3A_264 = tpu.dynamic_gather %min3A_255[%gather3A_263] in [0] : vector<16xi32>, vector<16xi32> -> vector<16xi32>
      %min3A_265 = arith.minsi %min3A_255, %gather3A_264 : vector<16xi32>
      %add3A_266 = arith.constant 1 : i32
      %add3A_267 = vector.broadcast %add3A_266 : i32 to vector<16xi32>
      %add3A_268 = arith.addi %iota3A, %add3A_267 : vector<16xi32>
      %and3A_269 = arith.constant 15 : i32
      %and3A_270 = vector.broadcast %and3A_269 : i32 to vector<16xi32>
      %and3A_271 = arith.andi %add3A_268, %and3A_270 : vector<16xi32>
      %broadcast_in_dim3A_272 = vector.shape_cast %and3A_271 : vector<16xi32> to vector<16x1xi32>
      %gather3A_273 = vector.shape_cast %broadcast_in_dim3A_272 : vector<16x1xi32> to vector<16xi32>
      %gather3A_274 = tpu.dynamic_gather %min3A_265[%gather3A_273] in [0] : vector<16xi32>, vector<16xi32> -> vector<16xi32>
      %min3A_275 = arith.minsi %min3A_265, %gather3A_274 : vector<16xi32>
      %eq3A_276 = arith.constant 1 : i32
      %eq3A_277 = vector.broadcast %eq3A_276 : i32 to vector<16xi32>
      %eq3A_278 = arith.cmpi eq, %iota3A, %eq3A_277 : vector<16xi32>
      %select_n3A_279 = arith.select %eq3A_278, %min3A_275, %select_n3A_129 : vector<16xi1>, vector<16xi32>
      %eq3A_280 = arith.constant 1 : i32
      %eq3A_281 = vector.broadcast %eq3A_280 : i32 to vector<16xi32>
      %eq3A_282 = arith.cmpi eq, %iota3A, %eq3A_281 : vector<16xi32>
      %select_n3A_283 = arith.select %eq3A_282, %max3A_204, %select_n3A_133 : vector<16xi1>, vector<16xf32>
      %add3A_284 = arith.constant 0 : i32
      %add3A_285 = vector.broadcast %add3A_284 : i32 to vector<16xi32>
      %add3A_286 = arith.addi %iota3A, %add3A_285 : vector<16xi32>
      %eq3A_287 = arith.cmpi eq, %add3A_286, %min3A_275 : vector<16xi32>
      %jit3A_288 = arith.constant -3.000000e+38 : f32
      %broadcast_in_dim3A_289 = vector.broadcast %jit3A_288 : f32 to vector<16xf32>
      %select_n3A_290 = arith.select %eq3A_287, %broadcast_in_dim3A_289, %select_n3A_140 : vector<16xi1>, vector<16xf32>
      %add3A_291 = arith.constant 16 : i32
      %add3A_292 = vector.broadcast %add3A_291 : i32 to vector<16xi32>
      %add3A_293 = arith.addi %iota3A, %add3A_292 : vector<16xi32>
      %eq3A_294 = arith.cmpi eq, %add3A_293, %min3A_275 : vector<16xi32>
      %jit3A_295 = arith.constant -3.000000e+38 : f32
      %broadcast_in_dim3A_296 = vector.broadcast %jit3A_295 : f32 to vector<16xf32>
      %select_n3A_297 = arith.select %eq3A_294, %broadcast_in_dim3A_296, %select_n3A_147 : vector<16xi1>, vector<16xf32>
      %add3A_298 = arith.constant 32 : i32
      %add3A_299 = vector.broadcast %add3A_298 : i32 to vector<16xi32>
      %add3A_300 = arith.addi %iota3A, %add3A_299 : vector<16xi32>
      %eq3A_301 = arith.cmpi eq, %add3A_300, %min3A_275 : vector<16xi32>
      %jit3A_302 = arith.constant -3.000000e+38 : f32
      %broadcast_in_dim3A_303 = vector.broadcast %jit3A_302 : f32 to vector<16xf32>
      %select_n3A_304 = arith.select %eq3A_301, %broadcast_in_dim3A_303, %select_n3A_154 : vector<16xi1>, vector<16xf32>
      %add3A_305 = arith.constant 48 : i32
      %add3A_306 = vector.broadcast %add3A_305 : i32 to vector<16xi32>
      %add3A_307 = arith.addi %iota3A, %add3A_306 : vector<16xi32>
      %eq3A_308 = arith.cmpi eq, %add3A_307, %min3A_275 : vector<16xi32>
      %jit3A_309 = arith.constant -3.000000e+38 : f32
      %broadcast_in_dim3A_310 = vector.broadcast %jit3A_309 : f32 to vector<16xf32>
      %select_n3A_311 = arith.select %eq3A_308, %broadcast_in_dim3A_310, %select_n3A_161 : vector<16xi1>, vector<16xf32>
      %max3A_312 = arith.maximumf %select_n3A_290, %select_n3A_297 : vector<16xf32>
      %max3A_313 = arith.maximumf %max3A_312, %select_n3A_304 : vector<16xf32>
      %max3A_314 = arith.maximumf %max3A_313, %select_n3A_311 : vector<16xf32>
      %add3A_315 = arith.constant 8 : i32
      %add3A_316 = vector.broadcast %add3A_315 : i32 to vector<16xi32>
      %add3A_317 = arith.addi %iota3A, %add3A_316 : vector<16xi32>
      %and3A_318 = arith.constant 15 : i32
      %and3A_319 = vector.broadcast %and3A_318 : i32 to vector<16xi32>
      %and3A_320 = arith.andi %add3A_317, %and3A_319 : vector<16xi32>
      %broadcast_in_dim3A_321 = vector.shape_cast %and3A_320 : vector<16xi32> to vector<16x1xi32>
      %gather3A_322 = vector.shape_cast %broadcast_in_dim3A_321 : vector<16x1xi32> to vector<16xi32>
      %gather3A_323 = tpu.dynamic_gather %max3A_314[%gather3A_322] in [0] : vector<16xf32>, vector<16xi32> -> vector<16xf32>
      %max3A_324 = arith.maximumf %max3A_314, %gather3A_323 : vector<16xf32>
      %add3A_325 = arith.constant 4 : i32
      %add3A_326 = vector.broadcast %add3A_325 : i32 to vector<16xi32>
      %add3A_327 = arith.addi %iota3A, %add3A_326 : vector<16xi32>
      %and3A_328 = arith.constant 15 : i32
      %and3A_329 = vector.broadcast %and3A_328 : i32 to vector<16xi32>
      %and3A_330 = arith.andi %add3A_327, %and3A_329 : vector<16xi32>
      %broadcast_in_dim3A_331 = vector.shape_cast %and3A_330 : vector<16xi32> to vector<16x1xi32>
      %gather3A_332 = vector.shape_cast %broadcast_in_dim3A_331 : vector<16x1xi32> to vector<16xi32>
      %gather3A_333 = tpu.dynamic_gather %max3A_324[%gather3A_332] in [0] : vector<16xf32>, vector<16xi32> -> vector<16xf32>
      %max3A_334 = arith.maximumf %max3A_324, %gather3A_333 : vector<16xf32>
      %add3A_335 = arith.constant 2 : i32
      %add3A_336 = vector.broadcast %add3A_335 : i32 to vector<16xi32>
      %add3A_337 = arith.addi %iota3A, %add3A_336 : vector<16xi32>
      %and3A_338 = arith.constant 15 : i32
      %and3A_339 = vector.broadcast %and3A_338 : i32 to vector<16xi32>
      %and3A_340 = arith.andi %add3A_337, %and3A_339 : vector<16xi32>
      %broadcast_in_dim3A_341 = vector.shape_cast %and3A_340 : vector<16xi32> to vector<16x1xi32>
      %gather3A_342 = vector.shape_cast %broadcast_in_dim3A_341 : vector<16x1xi32> to vector<16xi32>
      %gather3A_343 = tpu.dynamic_gather %max3A_334[%gather3A_342] in [0] : vector<16xf32>, vector<16xi32> -> vector<16xf32>
      %max3A_344 = arith.maximumf %max3A_334, %gather3A_343 : vector<16xf32>
      %add3A_345 = arith.constant 1 : i32
      %add3A_346 = vector.broadcast %add3A_345 : i32 to vector<16xi32>
      %add3A_347 = arith.addi %iota3A, %add3A_346 : vector<16xi32>
      %and3A_348 = arith.constant 15 : i32
      %and3A_349 = vector.broadcast %and3A_348 : i32 to vector<16xi32>
      %and3A_350 = arith.andi %add3A_347, %and3A_349 : vector<16xi32>
      %broadcast_in_dim3A_351 = vector.shape_cast %and3A_350 : vector<16xi32> to vector<16x1xi32>
      %gather3A_352 = vector.shape_cast %broadcast_in_dim3A_351 : vector<16x1xi32> to vector<16xi32>
      %gather3A_353 = tpu.dynamic_gather %max3A_344[%gather3A_352] in [0] : vector<16xf32>, vector<16xi32> -> vector<16xf32>
      %max3A_354 = arith.maximumf %max3A_344, %gather3A_353 : vector<16xf32>
      %eq3A_355 = arith.cmpf oeq, %select_n3A_290, %max3A_354 : vector<16xf32>
      %add3A_356 = arith.constant 0 : i32
      %add3A_357 = vector.broadcast %add3A_356 : i32 to vector<16xi32>
      %add3A_358 = arith.addi %iota3A, %add3A_357 : vector<16xi32>
      %jit3A_359 = arith.constant 1073741824 : i32
      %broadcast_in_dim3A_360 = vector.broadcast %jit3A_359 : i32 to vector<16xi32>
      %select_n3A_361 = arith.select %eq3A_355, %add3A_358, %broadcast_in_dim3A_360 : vector<16xi1>, vector<16xi32>
      %eq3A_362 = arith.cmpf oeq, %select_n3A_297, %max3A_354 : vector<16xf32>
      %add3A_363 = arith.constant 16 : i32
      %add3A_364 = vector.broadcast %add3A_363 : i32 to vector<16xi32>
      %add3A_365 = arith.addi %iota3A, %add3A_364 : vector<16xi32>
      %jit3A_366 = arith.constant 1073741824 : i32
      %broadcast_in_dim3A_367 = vector.broadcast %jit3A_366 : i32 to vector<16xi32>
      %select_n3A_368 = arith.select %eq3A_362, %add3A_365, %broadcast_in_dim3A_367 : vector<16xi1>, vector<16xi32>
      %eq3A_369 = arith.cmpf oeq, %select_n3A_304, %max3A_354 : vector<16xf32>
      %add3A_370 = arith.constant 32 : i32
      %add3A_371 = vector.broadcast %add3A_370 : i32 to vector<16xi32>
      %add3A_372 = arith.addi %iota3A, %add3A_371 : vector<16xi32>
      %jit3A_373 = arith.constant 1073741824 : i32
      %broadcast_in_dim3A_374 = vector.broadcast %jit3A_373 : i32 to vector<16xi32>
      %select_n3A_375 = arith.select %eq3A_369, %add3A_372, %broadcast_in_dim3A_374 : vector<16xi1>, vector<16xi32>
      %eq3A_376 = arith.cmpf oeq, %select_n3A_311, %max3A_354 : vector<16xf32>
      %add3A_377 = arith.constant 48 : i32
      %add3A_378 = vector.broadcast %add3A_377 : i32 to vector<16xi32>
      %add3A_379 = arith.addi %iota3A, %add3A_378 : vector<16xi32>
      %jit3A_380 = arith.constant 1073741824 : i32
      %broadcast_in_dim3A_381 = vector.broadcast %jit3A_380 : i32 to vector<16xi32>
      %select_n3A_382 = arith.select %eq3A_376, %add3A_379, %broadcast_in_dim3A_381 : vector<16xi1>, vector<16xi32>
      %min3A_383 = arith.minsi %select_n3A_361, %select_n3A_368 : vector<16xi32>
      %min3A_384 = arith.minsi %min3A_383, %select_n3A_375 : vector<16xi32>
      %min3A_385 = arith.minsi %min3A_384, %select_n3A_382 : vector<16xi32>
      %add3A_386 = arith.constant 8 : i32
      %add3A_387 = vector.broadcast %add3A_386 : i32 to vector<16xi32>
      %add3A_388 = arith.addi %iota3A, %add3A_387 : vector<16xi32>
      %and3A_389 = arith.constant 15 : i32
      %and3A_390 = vector.broadcast %and3A_389 : i32 to vector<16xi32>
      %and3A_391 = arith.andi %add3A_388, %and3A_390 : vector<16xi32>
      %broadcast_in_dim3A_392 = vector.shape_cast %and3A_391 : vector<16xi32> to vector<16x1xi32>
      %gather3A_393 = vector.shape_cast %broadcast_in_dim3A_392 : vector<16x1xi32> to vector<16xi32>
      %gather3A_394 = tpu.dynamic_gather %min3A_385[%gather3A_393] in [0] : vector<16xi32>, vector<16xi32> -> vector<16xi32>
      %min3A_395 = arith.minsi %min3A_385, %gather3A_394 : vector<16xi32>
      %add3A_396 = arith.constant 4 : i32
      %add3A_397 = vector.broadcast %add3A_396 : i32 to vector<16xi32>
      %add3A_398 = arith.addi %iota3A, %add3A_397 : vector<16xi32>
      %and3A_399 = arith.constant 15 : i32
      %and3A_400 = vector.broadcast %and3A_399 : i32 to vector<16xi32>
      %and3A_401 = arith.andi %add3A_398, %and3A_400 : vector<16xi32>
      %broadcast_in_dim3A_402 = vector.shape_cast %and3A_401 : vector<16xi32> to vector<16x1xi32>
      %gather3A_403 = vector.shape_cast %broadcast_in_dim3A_402 : vector<16x1xi32> to vector<16xi32>
      %gather3A_404 = tpu.dynamic_gather %min3A_395[%gather3A_403] in [0] : vector<16xi32>, vector<16xi32> -> vector<16xi32>
      %min3A_405 = arith.minsi %min3A_395, %gather3A_404 : vector<16xi32>
      %add3A_406 = arith.constant 2 : i32
      %add3A_407 = vector.broadcast %add3A_406 : i32 to vector<16xi32>
      %add3A_408 = arith.addi %iota3A, %add3A_407 : vector<16xi32>
      %and3A_409 = arith.constant 15 : i32
      %and3A_410 = vector.broadcast %and3A_409 : i32 to vector<16xi32>
      %and3A_411 = arith.andi %add3A_408, %and3A_410 : vector<16xi32>
      %broadcast_in_dim3A_412 = vector.shape_cast %and3A_411 : vector<16xi32> to vector<16x1xi32>
      %gather3A_413 = vector.shape_cast %broadcast_in_dim3A_412 : vector<16x1xi32> to vector<16xi32>
      %gather3A_414 = tpu.dynamic_gather %min3A_405[%gather3A_413] in [0] : vector<16xi32>, vector<16xi32> -> vector<16xi32>
      %min3A_415 = arith.minsi %min3A_405, %gather3A_414 : vector<16xi32>
      %add3A_416 = arith.constant 1 : i32
      %add3A_417 = vector.broadcast %add3A_416 : i32 to vector<16xi32>
      %add3A_418 = arith.addi %iota3A, %add3A_417 : vector<16xi32>
      %and3A_419 = arith.constant 15 : i32
      %and3A_420 = vector.broadcast %and3A_419 : i32 to vector<16xi32>
      %and3A_421 = arith.andi %add3A_418, %and3A_420 : vector<16xi32>
      %broadcast_in_dim3A_422 = vector.shape_cast %and3A_421 : vector<16xi32> to vector<16x1xi32>
      %gather3A_423 = vector.shape_cast %broadcast_in_dim3A_422 : vector<16x1xi32> to vector<16xi32>
      %gather3A_424 = tpu.dynamic_gather %min3A_415[%gather3A_423] in [0] : vector<16xi32>, vector<16xi32> -> vector<16xi32>
      %min3A_425 = arith.minsi %min3A_415, %gather3A_424 : vector<16xi32>
      %eq3A_426 = arith.constant 2 : i32
      %eq3A_427 = vector.broadcast %eq3A_426 : i32 to vector<16xi32>
      %eq3A_428 = arith.cmpi eq, %iota3A, %eq3A_427 : vector<16xi32>
      %select_n3A_429 = arith.select %eq3A_428, %min3A_425, %select_n3A_279 : vector<16xi1>, vector<16xi32>
      %eq3A_430 = arith.constant 2 : i32
      %eq3A_431 = vector.broadcast %eq3A_430 : i32 to vector<16xi32>
      %eq3A_432 = arith.cmpi eq, %iota3A, %eq3A_431 : vector<16xi32>
      %select_n3A_433 = arith.select %eq3A_432, %max3A_354, %select_n3A_283 : vector<16xi1>, vector<16xf32>
      %add3A_434 = arith.constant 0 : i32
      %add3A_435 = vector.broadcast %add3A_434 : i32 to vector<16xi32>
      %add3A_436 = arith.addi %iota3A, %add3A_435 : vector<16xi32>
      %eq3A_437 = arith.cmpi eq, %add3A_436, %min3A_425 : vector<16xi32>
      %jit3A_438 = arith.constant -3.000000e+38 : f32
      %broadcast_in_dim3A_439 = vector.broadcast %jit3A_438 : f32 to vector<16xf32>
      %select_n3A_440 = arith.select %eq3A_437, %broadcast_in_dim3A_439, %select_n3A_290 : vector<16xi1>, vector<16xf32>
      %add3A_441 = arith.constant 16 : i32
      %add3A_442 = vector.broadcast %add3A_441 : i32 to vector<16xi32>
      %add3A_443 = arith.addi %iota3A, %add3A_442 : vector<16xi32>
      %eq3A_444 = arith.cmpi eq, %add3A_443, %min3A_425 : vector<16xi32>
      %jit3A_445 = arith.constant -3.000000e+38 : f32
      %broadcast_in_dim3A_446 = vector.broadcast %jit3A_445 : f32 to vector<16xf32>
      %select_n3A_447 = arith.select %eq3A_444, %broadcast_in_dim3A_446, %select_n3A_297 : vector<16xi1>, vector<16xf32>
      %add3A_448 = arith.constant 32 : i32
      %add3A_449 = vector.broadcast %add3A_448 : i32 to vector<16xi32>
      %add3A_450 = arith.addi %iota3A, %add3A_449 : vector<16xi32>
      %eq3A_451 = arith.cmpi eq, %add3A_450, %min3A_425 : vector<16xi32>
      %jit3A_452 = arith.constant -3.000000e+38 : f32
      %broadcast_in_dim3A_453 = vector.broadcast %jit3A_452 : f32 to vector<16xf32>
      %select_n3A_454 = arith.select %eq3A_451, %broadcast_in_dim3A_453, %select_n3A_304 : vector<16xi1>, vector<16xf32>
      %add3A_455 = arith.constant 48 : i32
      %add3A_456 = vector.broadcast %add3A_455 : i32 to vector<16xi32>
      %add3A_457 = arith.addi %iota3A, %add3A_456 : vector<16xi32>
      %eq3A_458 = arith.cmpi eq, %add3A_457, %min3A_425 : vector<16xi32>
      %jit3A_459 = arith.constant -3.000000e+38 : f32
      %broadcast_in_dim3A_460 = vector.broadcast %jit3A_459 : f32 to vector<16xf32>
      %select_n3A_461 = arith.select %eq3A_458, %broadcast_in_dim3A_460, %select_n3A_311 : vector<16xi1>, vector<16xf32>
      %max3A_462 = arith.maximumf %select_n3A_440, %select_n3A_447 : vector<16xf32>
      %max3A_463 = arith.maximumf %max3A_462, %select_n3A_454 : vector<16xf32>
      %max3A_464 = arith.maximumf %max3A_463, %select_n3A_461 : vector<16xf32>
      %add3A_465 = arith.constant 8 : i32
      %add3A_466 = vector.broadcast %add3A_465 : i32 to vector<16xi32>
      %add3A_467 = arith.addi %iota3A, %add3A_466 : vector<16xi32>
      %and3A_468 = arith.constant 15 : i32
      %and3A_469 = vector.broadcast %and3A_468 : i32 to vector<16xi32>
      %and3A_470 = arith.andi %add3A_467, %and3A_469 : vector<16xi32>
      %broadcast_in_dim3A_471 = vector.shape_cast %and3A_470 : vector<16xi32> to vector<16x1xi32>
      %gather3A_472 = vector.shape_cast %broadcast_in_dim3A_471 : vector<16x1xi32> to vector<16xi32>
      %gather3A_473 = tpu.dynamic_gather %max3A_464[%gather3A_472] in [0] : vector<16xf32>, vector<16xi32> -> vector<16xf32>
      %max3A_474 = arith.maximumf %max3A_464, %gather3A_473 : vector<16xf32>
      %add3A_475 = arith.constant 4 : i32
      %add3A_476 = vector.broadcast %add3A_475 : i32 to vector<16xi32>
      %add3A_477 = arith.addi %iota3A, %add3A_476 : vector<16xi32>
      %and3A_478 = arith.constant 15 : i32
      %and3A_479 = vector.broadcast %and3A_478 : i32 to vector<16xi32>
      %and3A_480 = arith.andi %add3A_477, %and3A_479 : vector<16xi32>
      %broadcast_in_dim3A_481 = vector.shape_cast %and3A_480 : vector<16xi32> to vector<16x1xi32>
      %gather3A_482 = vector.shape_cast %broadcast_in_dim3A_481 : vector<16x1xi32> to vector<16xi32>
      %gather3A_483 = tpu.dynamic_gather %max3A_474[%gather3A_482] in [0] : vector<16xf32>, vector<16xi32> -> vector<16xf32>
      %max3A_484 = arith.maximumf %max3A_474, %gather3A_483 : vector<16xf32>
      %add3A_485 = arith.constant 2 : i32
      %add3A_486 = vector.broadcast %add3A_485 : i32 to vector<16xi32>
      %add3A_487 = arith.addi %iota3A, %add3A_486 : vector<16xi32>
      %and3A_488 = arith.constant 15 : i32
      %and3A_489 = vector.broadcast %and3A_488 : i32 to vector<16xi32>
      %and3A_490 = arith.andi %add3A_487, %and3A_489 : vector<16xi32>
      %broadcast_in_dim3A_491 = vector.shape_cast %and3A_490 : vector<16xi32> to vector<16x1xi32>
      %gather3A_492 = vector.shape_cast %broadcast_in_dim3A_491 : vector<16x1xi32> to vector<16xi32>
      %gather3A_493 = tpu.dynamic_gather %max3A_484[%gather3A_492] in [0] : vector<16xf32>, vector<16xi32> -> vector<16xf32>
      %max3A_494 = arith.maximumf %max3A_484, %gather3A_493 : vector<16xf32>
      %add3A_495 = arith.constant 1 : i32
      %add3A_496 = vector.broadcast %add3A_495 : i32 to vector<16xi32>
      %add3A_497 = arith.addi %iota3A, %add3A_496 : vector<16xi32>
      %and3A_498 = arith.constant 15 : i32
      %and3A_499 = vector.broadcast %and3A_498 : i32 to vector<16xi32>
      %and3A_500 = arith.andi %add3A_497, %and3A_499 : vector<16xi32>
      %broadcast_in_dim3A_501 = vector.shape_cast %and3A_500 : vector<16xi32> to vector<16x1xi32>
      %gather3A_502 = vector.shape_cast %broadcast_in_dim3A_501 : vector<16x1xi32> to vector<16xi32>
      %gather3A_503 = tpu.dynamic_gather %max3A_494[%gather3A_502] in [0] : vector<16xf32>, vector<16xi32> -> vector<16xf32>
      %max3A_504 = arith.maximumf %max3A_494, %gather3A_503 : vector<16xf32>
      %eq3A_505 = arith.cmpf oeq, %select_n3A_440, %max3A_504 : vector<16xf32>
      %add3A_506 = arith.constant 0 : i32
      %add3A_507 = vector.broadcast %add3A_506 : i32 to vector<16xi32>
      %add3A_508 = arith.addi %iota3A, %add3A_507 : vector<16xi32>
      %jit3A_509 = arith.constant 1073741824 : i32
      %broadcast_in_dim3A_510 = vector.broadcast %jit3A_509 : i32 to vector<16xi32>
      %select_n3A_511 = arith.select %eq3A_505, %add3A_508, %broadcast_in_dim3A_510 : vector<16xi1>, vector<16xi32>
      %eq3A_512 = arith.cmpf oeq, %select_n3A_447, %max3A_504 : vector<16xf32>
      %add3A_513 = arith.constant 16 : i32
      %add3A_514 = vector.broadcast %add3A_513 : i32 to vector<16xi32>
      %add3A_515 = arith.addi %iota3A, %add3A_514 : vector<16xi32>
      %jit3A_516 = arith.constant 1073741824 : i32
      %broadcast_in_dim3A_517 = vector.broadcast %jit3A_516 : i32 to vector<16xi32>
      %select_n3A_518 = arith.select %eq3A_512, %add3A_515, %broadcast_in_dim3A_517 : vector<16xi1>, vector<16xi32>
      %eq3A_519 = arith.cmpf oeq, %select_n3A_454, %max3A_504 : vector<16xf32>
      %add3A_520 = arith.constant 32 : i32
      %add3A_521 = vector.broadcast %add3A_520 : i32 to vector<16xi32>
      %add3A_522 = arith.addi %iota3A, %add3A_521 : vector<16xi32>
      %jit3A_523 = arith.constant 1073741824 : i32
      %broadcast_in_dim3A_524 = vector.broadcast %jit3A_523 : i32 to vector<16xi32>
      %select_n3A_525 = arith.select %eq3A_519, %add3A_522, %broadcast_in_dim3A_524 : vector<16xi1>, vector<16xi32>
      %eq3A_526 = arith.cmpf oeq, %select_n3A_461, %max3A_504 : vector<16xf32>
      %add3A_527 = arith.constant 48 : i32
      %add3A_528 = vector.broadcast %add3A_527 : i32 to vector<16xi32>
      %add3A_529 = arith.addi %iota3A, %add3A_528 : vector<16xi32>
      %jit3A_530 = arith.constant 1073741824 : i32
      %broadcast_in_dim3A_531 = vector.broadcast %jit3A_530 : i32 to vector<16xi32>
      %select_n3A_532 = arith.select %eq3A_526, %add3A_529, %broadcast_in_dim3A_531 : vector<16xi1>, vector<16xi32>
      %min3A_533 = arith.minsi %select_n3A_511, %select_n3A_518 : vector<16xi32>
      %min3A_534 = arith.minsi %min3A_533, %select_n3A_525 : vector<16xi32>
      %min3A_535 = arith.minsi %min3A_534, %select_n3A_532 : vector<16xi32>
      %add3A_536 = arith.constant 8 : i32
      %add3A_537 = vector.broadcast %add3A_536 : i32 to vector<16xi32>
      %add3A_538 = arith.addi %iota3A, %add3A_537 : vector<16xi32>
      %and3A_539 = arith.constant 15 : i32
      %and3A_540 = vector.broadcast %and3A_539 : i32 to vector<16xi32>
      %and3A_541 = arith.andi %add3A_538, %and3A_540 : vector<16xi32>
      %broadcast_in_dim3A_542 = vector.shape_cast %and3A_541 : vector<16xi32> to vector<16x1xi32>
      %gather3A_543 = vector.shape_cast %broadcast_in_dim3A_542 : vector<16x1xi32> to vector<16xi32>
      %gather3A_544 = tpu.dynamic_gather %min3A_535[%gather3A_543] in [0] : vector<16xi32>, vector<16xi32> -> vector<16xi32>
      %min3A_545 = arith.minsi %min3A_535, %gather3A_544 : vector<16xi32>
      %add3A_546 = arith.constant 4 : i32
      %add3A_547 = vector.broadcast %add3A_546 : i32 to vector<16xi32>
      %add3A_548 = arith.addi %iota3A, %add3A_547 : vector<16xi32>
      %and3A_549 = arith.constant 15 : i32
      %and3A_550 = vector.broadcast %and3A_549 : i32 to vector<16xi32>
      %and3A_551 = arith.andi %add3A_548, %and3A_550 : vector<16xi32>
      %broadcast_in_dim3A_552 = vector.shape_cast %and3A_551 : vector<16xi32> to vector<16x1xi32>
      %gather3A_553 = vector.shape_cast %broadcast_in_dim3A_552 : vector<16x1xi32> to vector<16xi32>
      %gather3A_554 = tpu.dynamic_gather %min3A_545[%gather3A_553] in [0] : vector<16xi32>, vector<16xi32> -> vector<16xi32>
      %min3A_555 = arith.minsi %min3A_545, %gather3A_554 : vector<16xi32>
      %add3A_556 = arith.constant 2 : i32
      %add3A_557 = vector.broadcast %add3A_556 : i32 to vector<16xi32>
      %add3A_558 = arith.addi %iota3A, %add3A_557 : vector<16xi32>
      %and3A_559 = arith.constant 15 : i32
      %and3A_560 = vector.broadcast %and3A_559 : i32 to vector<16xi32>
      %and3A_561 = arith.andi %add3A_558, %and3A_560 : vector<16xi32>
      %broadcast_in_dim3A_562 = vector.shape_cast %and3A_561 : vector<16xi32> to vector<16x1xi32>
      %gather3A_563 = vector.shape_cast %broadcast_in_dim3A_562 : vector<16x1xi32> to vector<16xi32>
      %gather3A_564 = tpu.dynamic_gather %min3A_555[%gather3A_563] in [0] : vector<16xi32>, vector<16xi32> -> vector<16xi32>
      %min3A_565 = arith.minsi %min3A_555, %gather3A_564 : vector<16xi32>
      %add3A_566 = arith.constant 1 : i32
      %add3A_567 = vector.broadcast %add3A_566 : i32 to vector<16xi32>
      %add3A_568 = arith.addi %iota3A, %add3A_567 : vector<16xi32>
      %and3A_569 = arith.constant 15 : i32
      %and3A_570 = vector.broadcast %and3A_569 : i32 to vector<16xi32>
      %and3A_571 = arith.andi %add3A_568, %and3A_570 : vector<16xi32>
      %broadcast_in_dim3A_572 = vector.shape_cast %and3A_571 : vector<16xi32> to vector<16x1xi32>
      %gather3A_573 = vector.shape_cast %broadcast_in_dim3A_572 : vector<16x1xi32> to vector<16xi32>
      %gather3A_574 = tpu.dynamic_gather %min3A_565[%gather3A_573] in [0] : vector<16xi32>, vector<16xi32> -> vector<16xi32>
      %min3A_575 = arith.minsi %min3A_565, %gather3A_574 : vector<16xi32>
      %eq3A_576 = arith.constant 3 : i32
      %eq3A_577 = vector.broadcast %eq3A_576 : i32 to vector<16xi32>
      %eq3A_578 = arith.cmpi eq, %iota3A, %eq3A_577 : vector<16xi32>
      %select_n3A_579 = arith.select %eq3A_578, %min3A_575, %select_n3A_429 : vector<16xi1>, vector<16xi32>
      %eq3A_580 = arith.constant 3 : i32
      %eq3A_581 = vector.broadcast %eq3A_580 : i32 to vector<16xi32>
      %eq3A_582 = arith.cmpi eq, %iota3A, %eq3A_581 : vector<16xi32>
      %select_n3A_583 = arith.select %eq3A_582, %max3A_504, %select_n3A_433 : vector<16xi1>, vector<16xf32>
      %add3A_584 = arith.constant 0 : i32
      %add3A_585 = vector.broadcast %add3A_584 : i32 to vector<16xi32>
      %add3A_586 = arith.addi %iota3A, %add3A_585 : vector<16xi32>
      %eq3A_587 = arith.cmpi eq, %add3A_586, %min3A_575 : vector<16xi32>
      %jit3A_588 = arith.constant -3.000000e+38 : f32
      %broadcast_in_dim3A_589 = vector.broadcast %jit3A_588 : f32 to vector<16xf32>
      %select_n3A_590 = arith.select %eq3A_587, %broadcast_in_dim3A_589, %select_n3A_440 : vector<16xi1>, vector<16xf32>
      %add3A_591 = arith.constant 16 : i32
      %add3A_592 = vector.broadcast %add3A_591 : i32 to vector<16xi32>
      %add3A_593 = arith.addi %iota3A, %add3A_592 : vector<16xi32>
      %eq3A_594 = arith.cmpi eq, %add3A_593, %min3A_575 : vector<16xi32>
      %jit3A_595 = arith.constant -3.000000e+38 : f32
      %broadcast_in_dim3A_596 = vector.broadcast %jit3A_595 : f32 to vector<16xf32>
      %select_n3A_597 = arith.select %eq3A_594, %broadcast_in_dim3A_596, %select_n3A_447 : vector<16xi1>, vector<16xf32>
      %add3A_598 = arith.constant 32 : i32
      %add3A_599 = vector.broadcast %add3A_598 : i32 to vector<16xi32>
      %add3A_600 = arith.addi %iota3A, %add3A_599 : vector<16xi32>
      %eq3A_601 = arith.cmpi eq, %add3A_600, %min3A_575 : vector<16xi32>
      %jit3A_602 = arith.constant -3.000000e+38 : f32
      %broadcast_in_dim3A_603 = vector.broadcast %jit3A_602 : f32 to vector<16xf32>
      %select_n3A_604 = arith.select %eq3A_601, %broadcast_in_dim3A_603, %select_n3A_454 : vector<16xi1>, vector<16xf32>
      %add3A_605 = arith.constant 48 : i32
      %add3A_606 = vector.broadcast %add3A_605 : i32 to vector<16xi32>
      %add3A_607 = arith.addi %iota3A, %add3A_606 : vector<16xi32>
      %eq3A_608 = arith.cmpi eq, %add3A_607, %min3A_575 : vector<16xi32>
      %jit3A_609 = arith.constant -3.000000e+38 : f32
      %broadcast_in_dim3A_610 = vector.broadcast %jit3A_609 : f32 to vector<16xf32>
      %select_n3A_611 = arith.select %eq3A_608, %broadcast_in_dim3A_610, %select_n3A_461 : vector<16xi1>, vector<16xf32>
      %max3A_612 = arith.maximumf %select_n3A_590, %select_n3A_597 : vector<16xf32>
      %max3A_613 = arith.maximumf %max3A_612, %select_n3A_604 : vector<16xf32>
      %max3A_614 = arith.maximumf %max3A_613, %select_n3A_611 : vector<16xf32>
      %add3A_615 = arith.constant 8 : i32
      %add3A_616 = vector.broadcast %add3A_615 : i32 to vector<16xi32>
      %add3A_617 = arith.addi %iota3A, %add3A_616 : vector<16xi32>
      %and3A_618 = arith.constant 15 : i32
      %and3A_619 = vector.broadcast %and3A_618 : i32 to vector<16xi32>
      %and3A_620 = arith.andi %add3A_617, %and3A_619 : vector<16xi32>
      %broadcast_in_dim3A_621 = vector.shape_cast %and3A_620 : vector<16xi32> to vector<16x1xi32>
      %gather3A_622 = vector.shape_cast %broadcast_in_dim3A_621 : vector<16x1xi32> to vector<16xi32>
      %gather3A_623 = tpu.dynamic_gather %max3A_614[%gather3A_622] in [0] : vector<16xf32>, vector<16xi32> -> vector<16xf32>
      %max3A_624 = arith.maximumf %max3A_614, %gather3A_623 : vector<16xf32>
      %add3A_625 = arith.constant 4 : i32
      %add3A_626 = vector.broadcast %add3A_625 : i32 to vector<16xi32>
      %add3A_627 = arith.addi %iota3A, %add3A_626 : vector<16xi32>
      %and3A_628 = arith.constant 15 : i32
      %and3A_629 = vector.broadcast %and3A_628 : i32 to vector<16xi32>
      %and3A_630 = arith.andi %add3A_627, %and3A_629 : vector<16xi32>
      %broadcast_in_dim3A_631 = vector.shape_cast %and3A_630 : vector<16xi32> to vector<16x1xi32>
      %gather3A_632 = vector.shape_cast %broadcast_in_dim3A_631 : vector<16x1xi32> to vector<16xi32>
      %gather3A_633 = tpu.dynamic_gather %max3A_624[%gather3A_632] in [0] : vector<16xf32>, vector<16xi32> -> vector<16xf32>
      %max3A_634 = arith.maximumf %max3A_624, %gather3A_633 : vector<16xf32>
      %add3A_635 = arith.constant 2 : i32
      %add3A_636 = vector.broadcast %add3A_635 : i32 to vector<16xi32>
      %add3A_637 = arith.addi %iota3A, %add3A_636 : vector<16xi32>
      %and3A_638 = arith.constant 15 : i32
      %and3A_639 = vector.broadcast %and3A_638 : i32 to vector<16xi32>
      %and3A_640 = arith.andi %add3A_637, %and3A_639 : vector<16xi32>
      %broadcast_in_dim3A_641 = vector.shape_cast %and3A_640 : vector<16xi32> to vector<16x1xi32>
      %gather3A_642 = vector.shape_cast %broadcast_in_dim3A_641 : vector<16x1xi32> to vector<16xi32>
      %gather3A_643 = tpu.dynamic_gather %max3A_634[%gather3A_642] in [0] : vector<16xf32>, vector<16xi32> -> vector<16xf32>
      %max3A_644 = arith.maximumf %max3A_634, %gather3A_643 : vector<16xf32>
      %add3A_645 = arith.constant 1 : i32
      %add3A_646 = vector.broadcast %add3A_645 : i32 to vector<16xi32>
      %add3A_647 = arith.addi %iota3A, %add3A_646 : vector<16xi32>
      %and3A_648 = arith.constant 15 : i32
      %and3A_649 = vector.broadcast %and3A_648 : i32 to vector<16xi32>
      %and3A_650 = arith.andi %add3A_647, %and3A_649 : vector<16xi32>
      %broadcast_in_dim3A_651 = vector.shape_cast %and3A_650 : vector<16xi32> to vector<16x1xi32>
      %gather3A_652 = vector.shape_cast %broadcast_in_dim3A_651 : vector<16x1xi32> to vector<16xi32>
      %gather3A_653 = tpu.dynamic_gather %max3A_644[%gather3A_652] in [0] : vector<16xf32>, vector<16xi32> -> vector<16xf32>
      %max3A_654 = arith.maximumf %max3A_644, %gather3A_653 : vector<16xf32>
      %eq3A_655 = arith.cmpf oeq, %select_n3A_590, %max3A_654 : vector<16xf32>
      %add3A_656 = arith.constant 0 : i32
      %add3A_657 = vector.broadcast %add3A_656 : i32 to vector<16xi32>
      %add3A_658 = arith.addi %iota3A, %add3A_657 : vector<16xi32>
      %jit3A_659 = arith.constant 1073741824 : i32
      %broadcast_in_dim3A_660 = vector.broadcast %jit3A_659 : i32 to vector<16xi32>
      %select_n3A_661 = arith.select %eq3A_655, %add3A_658, %broadcast_in_dim3A_660 : vector<16xi1>, vector<16xi32>
      %eq3A_662 = arith.cmpf oeq, %select_n3A_597, %max3A_654 : vector<16xf32>
      %add3A_663 = arith.constant 16 : i32
      %add3A_664 = vector.broadcast %add3A_663 : i32 to vector<16xi32>
      %add3A_665 = arith.addi %iota3A, %add3A_664 : vector<16xi32>
      %jit3A_666 = arith.constant 1073741824 : i32
      %broadcast_in_dim3A_667 = vector.broadcast %jit3A_666 : i32 to vector<16xi32>
      %select_n3A_668 = arith.select %eq3A_662, %add3A_665, %broadcast_in_dim3A_667 : vector<16xi1>, vector<16xi32>
      %eq3A_669 = arith.cmpf oeq, %select_n3A_604, %max3A_654 : vector<16xf32>
      %add3A_670 = arith.constant 32 : i32
      %add3A_671 = vector.broadcast %add3A_670 : i32 to vector<16xi32>
      %add3A_672 = arith.addi %iota3A, %add3A_671 : vector<16xi32>
      %jit3A_673 = arith.constant 1073741824 : i32
      %broadcast_in_dim3A_674 = vector.broadcast %jit3A_673 : i32 to vector<16xi32>
      %select_n3A_675 = arith.select %eq3A_669, %add3A_672, %broadcast_in_dim3A_674 : vector<16xi1>, vector<16xi32>
      %eq3A_676 = arith.cmpf oeq, %select_n3A_611, %max3A_654 : vector<16xf32>
      %add3A_677 = arith.constant 48 : i32
      %add3A_678 = vector.broadcast %add3A_677 : i32 to vector<16xi32>
      %add3A_679 = arith.addi %iota3A, %add3A_678 : vector<16xi32>
      %jit3A_680 = arith.constant 1073741824 : i32
      %broadcast_in_dim3A_681 = vector.broadcast %jit3A_680 : i32 to vector<16xi32>
      %select_n3A_682 = arith.select %eq3A_676, %add3A_679, %broadcast_in_dim3A_681 : vector<16xi1>, vector<16xi32>
      %min3A_683 = arith.minsi %select_n3A_661, %select_n3A_668 : vector<16xi32>
      %min3A_684 = arith.minsi %min3A_683, %select_n3A_675 : vector<16xi32>
      %min3A_685 = arith.minsi %min3A_684, %select_n3A_682 : vector<16xi32>
      %add3A_686 = arith.constant 8 : i32
      %add3A_687 = vector.broadcast %add3A_686 : i32 to vector<16xi32>
      %add3A_688 = arith.addi %iota3A, %add3A_687 : vector<16xi32>
      %and3A_689 = arith.constant 15 : i32
      %and3A_690 = vector.broadcast %and3A_689 : i32 to vector<16xi32>
      %and3A_691 = arith.andi %add3A_688, %and3A_690 : vector<16xi32>
      %broadcast_in_dim3A_692 = vector.shape_cast %and3A_691 : vector<16xi32> to vector<16x1xi32>
      %gather3A_693 = vector.shape_cast %broadcast_in_dim3A_692 : vector<16x1xi32> to vector<16xi32>
      %gather3A_694 = tpu.dynamic_gather %min3A_685[%gather3A_693] in [0] : vector<16xi32>, vector<16xi32> -> vector<16xi32>
      %min3A_695 = arith.minsi %min3A_685, %gather3A_694 : vector<16xi32>
      %add3A_696 = arith.constant 4 : i32
      %add3A_697 = vector.broadcast %add3A_696 : i32 to vector<16xi32>
      %add3A_698 = arith.addi %iota3A, %add3A_697 : vector<16xi32>
      %and3A_699 = arith.constant 15 : i32
      %and3A_700 = vector.broadcast %and3A_699 : i32 to vector<16xi32>
      %and3A_701 = arith.andi %add3A_698, %and3A_700 : vector<16xi32>
      %broadcast_in_dim3A_702 = vector.shape_cast %and3A_701 : vector<16xi32> to vector<16x1xi32>
      %gather3A_703 = vector.shape_cast %broadcast_in_dim3A_702 : vector<16x1xi32> to vector<16xi32>
      %gather3A_704 = tpu.dynamic_gather %min3A_695[%gather3A_703] in [0] : vector<16xi32>, vector<16xi32> -> vector<16xi32>
      %min3A_705 = arith.minsi %min3A_695, %gather3A_704 : vector<16xi32>
      %add3A_706 = arith.constant 2 : i32
      %add3A_707 = vector.broadcast %add3A_706 : i32 to vector<16xi32>
      %add3A_708 = arith.addi %iota3A, %add3A_707 : vector<16xi32>
      %and3A_709 = arith.constant 15 : i32
      %and3A_710 = vector.broadcast %and3A_709 : i32 to vector<16xi32>
      %and3A_711 = arith.andi %add3A_708, %and3A_710 : vector<16xi32>
      %broadcast_in_dim3A_712 = vector.shape_cast %and3A_711 : vector<16xi32> to vector<16x1xi32>
      %gather3A_713 = vector.shape_cast %broadcast_in_dim3A_712 : vector<16x1xi32> to vector<16xi32>
      %gather3A_714 = tpu.dynamic_gather %min3A_705[%gather3A_713] in [0] : vector<16xi32>, vector<16xi32> -> vector<16xi32>
      %min3A_715 = arith.minsi %min3A_705, %gather3A_714 : vector<16xi32>
      %add3A_716 = arith.constant 1 : i32
      %add3A_717 = vector.broadcast %add3A_716 : i32 to vector<16xi32>
      %add3A_718 = arith.addi %iota3A, %add3A_717 : vector<16xi32>
      %and3A_719 = arith.constant 15 : i32
      %and3A_720 = vector.broadcast %and3A_719 : i32 to vector<16xi32>
      %and3A_721 = arith.andi %add3A_718, %and3A_720 : vector<16xi32>
      %broadcast_in_dim3A_722 = vector.shape_cast %and3A_721 : vector<16xi32> to vector<16x1xi32>
      %gather3A_723 = vector.shape_cast %broadcast_in_dim3A_722 : vector<16x1xi32> to vector<16xi32>
      %gather3A_724 = tpu.dynamic_gather %min3A_715[%gather3A_723] in [0] : vector<16xi32>, vector<16xi32> -> vector<16xi32>
      %min3A_725 = arith.minsi %min3A_715, %gather3A_724 : vector<16xi32>
      %eq3A_726 = arith.constant 4 : i32
      %eq3A_727 = vector.broadcast %eq3A_726 : i32 to vector<16xi32>
      %eq3A_728 = arith.cmpi eq, %iota3A, %eq3A_727 : vector<16xi32>
      %select_n3A_729 = arith.select %eq3A_728, %min3A_725, %select_n3A_579 : vector<16xi1>, vector<16xi32>
      %eq3A_730 = arith.constant 4 : i32
      %eq3A_731 = vector.broadcast %eq3A_730 : i32 to vector<16xi32>
      %eq3A_732 = arith.cmpi eq, %iota3A, %eq3A_731 : vector<16xi32>
      %select_n3A_733 = arith.select %eq3A_732, %max3A_654, %select_n3A_583 : vector<16xi1>, vector<16xf32>
      %add3A_734 = arith.constant 0 : i32
      %add3A_735 = vector.broadcast %add3A_734 : i32 to vector<16xi32>
      %add3A_736 = arith.addi %iota3A, %add3A_735 : vector<16xi32>
      %eq3A_737 = arith.cmpi eq, %add3A_736, %min3A_725 : vector<16xi32>
      %jit3A_738 = arith.constant -3.000000e+38 : f32
      %broadcast_in_dim3A_739 = vector.broadcast %jit3A_738 : f32 to vector<16xf32>
      %select_n3A_740 = arith.select %eq3A_737, %broadcast_in_dim3A_739, %select_n3A_590 : vector<16xi1>, vector<16xf32>
      %add3A_741 = arith.constant 16 : i32
      %add3A_742 = vector.broadcast %add3A_741 : i32 to vector<16xi32>
      %add3A_743 = arith.addi %iota3A, %add3A_742 : vector<16xi32>
      %eq3A_744 = arith.cmpi eq, %add3A_743, %min3A_725 : vector<16xi32>
      %jit3A_745 = arith.constant -3.000000e+38 : f32
      %broadcast_in_dim3A_746 = vector.broadcast %jit3A_745 : f32 to vector<16xf32>
      %select_n3A_747 = arith.select %eq3A_744, %broadcast_in_dim3A_746, %select_n3A_597 : vector<16xi1>, vector<16xf32>
      %add3A_748 = arith.constant 32 : i32
      %add3A_749 = vector.broadcast %add3A_748 : i32 to vector<16xi32>
      %add3A_750 = arith.addi %iota3A, %add3A_749 : vector<16xi32>
      %eq3A_751 = arith.cmpi eq, %add3A_750, %min3A_725 : vector<16xi32>
      %jit3A_752 = arith.constant -3.000000e+38 : f32
      %broadcast_in_dim3A_753 = vector.broadcast %jit3A_752 : f32 to vector<16xf32>
      %select_n3A_754 = arith.select %eq3A_751, %broadcast_in_dim3A_753, %select_n3A_604 : vector<16xi1>, vector<16xf32>
      %add3A_755 = arith.constant 48 : i32
      %add3A_756 = vector.broadcast %add3A_755 : i32 to vector<16xi32>
      %add3A_757 = arith.addi %iota3A, %add3A_756 : vector<16xi32>
      %eq3A_758 = arith.cmpi eq, %add3A_757, %min3A_725 : vector<16xi32>
      %jit3A_759 = arith.constant -3.000000e+38 : f32
      %broadcast_in_dim3A_760 = vector.broadcast %jit3A_759 : f32 to vector<16xf32>
      %select_n3A_761 = arith.select %eq3A_758, %broadcast_in_dim3A_760, %select_n3A_611 : vector<16xi1>, vector<16xf32>
      %max3A_762 = arith.maximumf %select_n3A_740, %select_n3A_747 : vector<16xf32>
      %max3A_763 = arith.maximumf %max3A_762, %select_n3A_754 : vector<16xf32>
      %max3A_764 = arith.maximumf %max3A_763, %select_n3A_761 : vector<16xf32>
      %add3A_765 = arith.constant 8 : i32
      %add3A_766 = vector.broadcast %add3A_765 : i32 to vector<16xi32>
      %add3A_767 = arith.addi %iota3A, %add3A_766 : vector<16xi32>
      %and3A_768 = arith.constant 15 : i32
      %and3A_769 = vector.broadcast %and3A_768 : i32 to vector<16xi32>
      %and3A_770 = arith.andi %add3A_767, %and3A_769 : vector<16xi32>
      %broadcast_in_dim3A_771 = vector.shape_cast %and3A_770 : vector<16xi32> to vector<16x1xi32>
      %gather3A_772 = vector.shape_cast %broadcast_in_dim3A_771 : vector<16x1xi32> to vector<16xi32>
      %gather3A_773 = tpu.dynamic_gather %max3A_764[%gather3A_772] in [0] : vector<16xf32>, vector<16xi32> -> vector<16xf32>
      %max3A_774 = arith.maximumf %max3A_764, %gather3A_773 : vector<16xf32>
      %add3A_775 = arith.constant 4 : i32
      %add3A_776 = vector.broadcast %add3A_775 : i32 to vector<16xi32>
      %add3A_777 = arith.addi %iota3A, %add3A_776 : vector<16xi32>
      %and3A_778 = arith.constant 15 : i32
      %and3A_779 = vector.broadcast %and3A_778 : i32 to vector<16xi32>
      %and3A_780 = arith.andi %add3A_777, %and3A_779 : vector<16xi32>
      %broadcast_in_dim3A_781 = vector.shape_cast %and3A_780 : vector<16xi32> to vector<16x1xi32>
      %gather3A_782 = vector.shape_cast %broadcast_in_dim3A_781 : vector<16x1xi32> to vector<16xi32>
      %gather3A_783 = tpu.dynamic_gather %max3A_774[%gather3A_782] in [0] : vector<16xf32>, vector<16xi32> -> vector<16xf32>
      %max3A_784 = arith.maximumf %max3A_774, %gather3A_783 : vector<16xf32>
      %add3A_785 = arith.constant 2 : i32
      %add3A_786 = vector.broadcast %add3A_785 : i32 to vector<16xi32>
      %add3A_787 = arith.addi %iota3A, %add3A_786 : vector<16xi32>
      %and3A_788 = arith.constant 15 : i32
      %and3A_789 = vector.broadcast %and3A_788 : i32 to vector<16xi32>
      %and3A_790 = arith.andi %add3A_787, %and3A_789 : vector<16xi32>
      %broadcast_in_dim3A_791 = vector.shape_cast %and3A_790 : vector<16xi32> to vector<16x1xi32>
      %gather3A_792 = vector.shape_cast %broadcast_in_dim3A_791 : vector<16x1xi32> to vector<16xi32>
      %gather3A_793 = tpu.dynamic_gather %max3A_784[%gather3A_792] in [0] : vector<16xf32>, vector<16xi32> -> vector<16xf32>
      %max3A_794 = arith.maximumf %max3A_784, %gather3A_793 : vector<16xf32>
      %add3A_795 = arith.constant 1 : i32
      %add3A_796 = vector.broadcast %add3A_795 : i32 to vector<16xi32>
      %add3A_797 = arith.addi %iota3A, %add3A_796 : vector<16xi32>
      %and3A_798 = arith.constant 15 : i32
      %and3A_799 = vector.broadcast %and3A_798 : i32 to vector<16xi32>
      %and3A_800 = arith.andi %add3A_797, %and3A_799 : vector<16xi32>
      %broadcast_in_dim3A_801 = vector.shape_cast %and3A_800 : vector<16xi32> to vector<16x1xi32>
      %gather3A_802 = vector.shape_cast %broadcast_in_dim3A_801 : vector<16x1xi32> to vector<16xi32>
      %gather3A_803 = tpu.dynamic_gather %max3A_794[%gather3A_802] in [0] : vector<16xf32>, vector<16xi32> -> vector<16xf32>
      %max3A_804 = arith.maximumf %max3A_794, %gather3A_803 : vector<16xf32>
      %eq3A_805 = arith.cmpf oeq, %select_n3A_740, %max3A_804 : vector<16xf32>
      %add3A_806 = arith.constant 0 : i32
      %add3A_807 = vector.broadcast %add3A_806 : i32 to vector<16xi32>
      %add3A_808 = arith.addi %iota3A, %add3A_807 : vector<16xi32>
      %jit3A_809 = arith.constant 1073741824 : i32
      %broadcast_in_dim3A_810 = vector.broadcast %jit3A_809 : i32 to vector<16xi32>
      %select_n3A_811 = arith.select %eq3A_805, %add3A_808, %broadcast_in_dim3A_810 : vector<16xi1>, vector<16xi32>
      %eq3A_812 = arith.cmpf oeq, %select_n3A_747, %max3A_804 : vector<16xf32>
      %add3A_813 = arith.constant 16 : i32
      %add3A_814 = vector.broadcast %add3A_813 : i32 to vector<16xi32>
      %add3A_815 = arith.addi %iota3A, %add3A_814 : vector<16xi32>
      %jit3A_816 = arith.constant 1073741824 : i32
      %broadcast_in_dim3A_817 = vector.broadcast %jit3A_816 : i32 to vector<16xi32>
      %select_n3A_818 = arith.select %eq3A_812, %add3A_815, %broadcast_in_dim3A_817 : vector<16xi1>, vector<16xi32>
      %eq3A_819 = arith.cmpf oeq, %select_n3A_754, %max3A_804 : vector<16xf32>
      %add3A_820 = arith.constant 32 : i32
      %add3A_821 = vector.broadcast %add3A_820 : i32 to vector<16xi32>
      %add3A_822 = arith.addi %iota3A, %add3A_821 : vector<16xi32>
      %jit3A_823 = arith.constant 1073741824 : i32
      %broadcast_in_dim3A_824 = vector.broadcast %jit3A_823 : i32 to vector<16xi32>
      %select_n3A_825 = arith.select %eq3A_819, %add3A_822, %broadcast_in_dim3A_824 : vector<16xi1>, vector<16xi32>
      %eq3A_826 = arith.cmpf oeq, %select_n3A_761, %max3A_804 : vector<16xf32>
      %add3A_827 = arith.constant 48 : i32
      %add3A_828 = vector.broadcast %add3A_827 : i32 to vector<16xi32>
      %add3A_829 = arith.addi %iota3A, %add3A_828 : vector<16xi32>
      %jit3A_830 = arith.constant 1073741824 : i32
      %broadcast_in_dim3A_831 = vector.broadcast %jit3A_830 : i32 to vector<16xi32>
      %select_n3A_832 = arith.select %eq3A_826, %add3A_829, %broadcast_in_dim3A_831 : vector<16xi1>, vector<16xi32>
      %min3A_833 = arith.minsi %select_n3A_811, %select_n3A_818 : vector<16xi32>
      %min3A_834 = arith.minsi %min3A_833, %select_n3A_825 : vector<16xi32>
      %min3A_835 = arith.minsi %min3A_834, %select_n3A_832 : vector<16xi32>
      %add3A_836 = arith.constant 8 : i32
      %add3A_837 = vector.broadcast %add3A_836 : i32 to vector<16xi32>
      %add3A_838 = arith.addi %iota3A, %add3A_837 : vector<16xi32>
      %and3A_839 = arith.constant 15 : i32
      %and3A_840 = vector.broadcast %and3A_839 : i32 to vector<16xi32>
      %and3A_841 = arith.andi %add3A_838, %and3A_840 : vector<16xi32>
      %broadcast_in_dim3A_842 = vector.shape_cast %and3A_841 : vector<16xi32> to vector<16x1xi32>
      %gather3A_843 = vector.shape_cast %broadcast_in_dim3A_842 : vector<16x1xi32> to vector<16xi32>
      %gather3A_844 = tpu.dynamic_gather %min3A_835[%gather3A_843] in [0] : vector<16xi32>, vector<16xi32> -> vector<16xi32>
      %min3A_845 = arith.minsi %min3A_835, %gather3A_844 : vector<16xi32>
      %add3A_846 = arith.constant 4 : i32
      %add3A_847 = vector.broadcast %add3A_846 : i32 to vector<16xi32>
      %add3A_848 = arith.addi %iota3A, %add3A_847 : vector<16xi32>
      %and3A_849 = arith.constant 15 : i32
      %and3A_850 = vector.broadcast %and3A_849 : i32 to vector<16xi32>
      %and3A_851 = arith.andi %add3A_848, %and3A_850 : vector<16xi32>
      %broadcast_in_dim3A_852 = vector.shape_cast %and3A_851 : vector<16xi32> to vector<16x1xi32>
      %gather3A_853 = vector.shape_cast %broadcast_in_dim3A_852 : vector<16x1xi32> to vector<16xi32>
      %gather3A_854 = tpu.dynamic_gather %min3A_845[%gather3A_853] in [0] : vector<16xi32>, vector<16xi32> -> vector<16xi32>
      %min3A_855 = arith.minsi %min3A_845, %gather3A_854 : vector<16xi32>
      %add3A_856 = arith.constant 2 : i32
      %add3A_857 = vector.broadcast %add3A_856 : i32 to vector<16xi32>
      %add3A_858 = arith.addi %iota3A, %add3A_857 : vector<16xi32>
      %and3A_859 = arith.constant 15 : i32
      %and3A_860 = vector.broadcast %and3A_859 : i32 to vector<16xi32>
      %and3A_861 = arith.andi %add3A_858, %and3A_860 : vector<16xi32>
      %broadcast_in_dim3A_862 = vector.shape_cast %and3A_861 : vector<16xi32> to vector<16x1xi32>
      %gather3A_863 = vector.shape_cast %broadcast_in_dim3A_862 : vector<16x1xi32> to vector<16xi32>
      %gather3A_864 = tpu.dynamic_gather %min3A_855[%gather3A_863] in [0] : vector<16xi32>, vector<16xi32> -> vector<16xi32>
      %min3A_865 = arith.minsi %min3A_855, %gather3A_864 : vector<16xi32>
      %add3A_866 = arith.constant 1 : i32
      %add3A_867 = vector.broadcast %add3A_866 : i32 to vector<16xi32>
      %add3A_868 = arith.addi %iota3A, %add3A_867 : vector<16xi32>
      %and3A_869 = arith.constant 15 : i32
      %and3A_870 = vector.broadcast %and3A_869 : i32 to vector<16xi32>
      %and3A_871 = arith.andi %add3A_868, %and3A_870 : vector<16xi32>
      %broadcast_in_dim3A_872 = vector.shape_cast %and3A_871 : vector<16xi32> to vector<16x1xi32>
      %gather3A_873 = vector.shape_cast %broadcast_in_dim3A_872 : vector<16x1xi32> to vector<16xi32>
      %gather3A_874 = tpu.dynamic_gather %min3A_865[%gather3A_873] in [0] : vector<16xi32>, vector<16xi32> -> vector<16xi32>
      %min3A_875 = arith.minsi %min3A_865, %gather3A_874 : vector<16xi32>
      %eq3A_876 = arith.constant 5 : i32
      %eq3A_877 = vector.broadcast %eq3A_876 : i32 to vector<16xi32>
      %eq3A_878 = arith.cmpi eq, %iota3A, %eq3A_877 : vector<16xi32>
      %select_n3A_879 = arith.select %eq3A_878, %min3A_875, %select_n3A_729 : vector<16xi1>, vector<16xi32>
      %eq3A_880 = arith.constant 5 : i32
      %eq3A_881 = vector.broadcast %eq3A_880 : i32 to vector<16xi32>
      %eq3A_882 = arith.cmpi eq, %iota3A, %eq3A_881 : vector<16xi32>
      %select_n3A_883 = arith.select %eq3A_882, %max3A_804, %select_n3A_733 : vector<16xi1>, vector<16xf32>
      %add3A_884 = arith.constant 0 : i32
      %add3A_885 = vector.broadcast %add3A_884 : i32 to vector<16xi32>
      %add3A_886 = arith.addi %iota3A, %add3A_885 : vector<16xi32>
      %eq3A_887 = arith.cmpi eq, %add3A_886, %min3A_875 : vector<16xi32>
      %jit3A_888 = arith.constant -3.000000e+38 : f32
      %broadcast_in_dim3A_889 = vector.broadcast %jit3A_888 : f32 to vector<16xf32>
      %select_n3A_890 = arith.select %eq3A_887, %broadcast_in_dim3A_889, %select_n3A_740 : vector<16xi1>, vector<16xf32>
      %add3A_891 = arith.constant 16 : i32
      %add3A_892 = vector.broadcast %add3A_891 : i32 to vector<16xi32>
      %add3A_893 = arith.addi %iota3A, %add3A_892 : vector<16xi32>
      %eq3A_894 = arith.cmpi eq, %add3A_893, %min3A_875 : vector<16xi32>
      %jit3A_895 = arith.constant -3.000000e+38 : f32
      %broadcast_in_dim3A_896 = vector.broadcast %jit3A_895 : f32 to vector<16xf32>
      %select_n3A_897 = arith.select %eq3A_894, %broadcast_in_dim3A_896, %select_n3A_747 : vector<16xi1>, vector<16xf32>
      %add3A_898 = arith.constant 32 : i32
      %add3A_899 = vector.broadcast %add3A_898 : i32 to vector<16xi32>
      %add3A_900 = arith.addi %iota3A, %add3A_899 : vector<16xi32>
      %eq3A_901 = arith.cmpi eq, %add3A_900, %min3A_875 : vector<16xi32>
      %jit3A_902 = arith.constant -3.000000e+38 : f32
      %broadcast_in_dim3A_903 = vector.broadcast %jit3A_902 : f32 to vector<16xf32>
      %select_n3A_904 = arith.select %eq3A_901, %broadcast_in_dim3A_903, %select_n3A_754 : vector<16xi1>, vector<16xf32>
      %add3A_905 = arith.constant 48 : i32
      %add3A_906 = vector.broadcast %add3A_905 : i32 to vector<16xi32>
      %add3A_907 = arith.addi %iota3A, %add3A_906 : vector<16xi32>
      %eq3A_908 = arith.cmpi eq, %add3A_907, %min3A_875 : vector<16xi32>
      %jit3A_909 = arith.constant -3.000000e+38 : f32
      %broadcast_in_dim3A_910 = vector.broadcast %jit3A_909 : f32 to vector<16xf32>
      %select_n3A_911 = arith.select %eq3A_908, %broadcast_in_dim3A_910, %select_n3A_761 : vector<16xi1>, vector<16xf32>
      %max3A_912 = arith.maximumf %select_n3A_890, %select_n3A_897 : vector<16xf32>
      %max3A_913 = arith.maximumf %max3A_912, %select_n3A_904 : vector<16xf32>
      %max3A_914 = arith.maximumf %max3A_913, %select_n3A_911 : vector<16xf32>
      %add3A_915 = arith.constant 8 : i32
      %add3A_916 = vector.broadcast %add3A_915 : i32 to vector<16xi32>
      %add3A_917 = arith.addi %iota3A, %add3A_916 : vector<16xi32>
      %and3A_918 = arith.constant 15 : i32
      %and3A_919 = vector.broadcast %and3A_918 : i32 to vector<16xi32>
      %and3A_920 = arith.andi %add3A_917, %and3A_919 : vector<16xi32>
      %broadcast_in_dim3A_921 = vector.shape_cast %and3A_920 : vector<16xi32> to vector<16x1xi32>
      %gather3A_922 = vector.shape_cast %broadcast_in_dim3A_921 : vector<16x1xi32> to vector<16xi32>
      %gather3A_923 = tpu.dynamic_gather %max3A_914[%gather3A_922] in [0] : vector<16xf32>, vector<16xi32> -> vector<16xf32>
      %max3A_924 = arith.maximumf %max3A_914, %gather3A_923 : vector<16xf32>
      %add3A_925 = arith.constant 4 : i32
      %add3A_926 = vector.broadcast %add3A_925 : i32 to vector<16xi32>
      %add3A_927 = arith.addi %iota3A, %add3A_926 : vector<16xi32>
      %and3A_928 = arith.constant 15 : i32
      %and3A_929 = vector.broadcast %and3A_928 : i32 to vector<16xi32>
      %and3A_930 = arith.andi %add3A_927, %and3A_929 : vector<16xi32>
      %broadcast_in_dim3A_931 = vector.shape_cast %and3A_930 : vector<16xi32> to vector<16x1xi32>
      %gather3A_932 = vector.shape_cast %broadcast_in_dim3A_931 : vector<16x1xi32> to vector<16xi32>
      %gather3A_933 = tpu.dynamic_gather %max3A_924[%gather3A_932] in [0] : vector<16xf32>, vector<16xi32> -> vector<16xf32>
      %max3A_934 = arith.maximumf %max3A_924, %gather3A_933 : vector<16xf32>
      %add3A_935 = arith.constant 2 : i32
      %add3A_936 = vector.broadcast %add3A_935 : i32 to vector<16xi32>
      %add3A_937 = arith.addi %iota3A, %add3A_936 : vector<16xi32>
      %and3A_938 = arith.constant 15 : i32
      %and3A_939 = vector.broadcast %and3A_938 : i32 to vector<16xi32>
      %and3A_940 = arith.andi %add3A_937, %and3A_939 : vector<16xi32>
      %broadcast_in_dim3A_941 = vector.shape_cast %and3A_940 : vector<16xi32> to vector<16x1xi32>
      %gather3A_942 = vector.shape_cast %broadcast_in_dim3A_941 : vector<16x1xi32> to vector<16xi32>
      %gather3A_943 = tpu.dynamic_gather %max3A_934[%gather3A_942] in [0] : vector<16xf32>, vector<16xi32> -> vector<16xf32>
      %max3A_944 = arith.maximumf %max3A_934, %gather3A_943 : vector<16xf32>
      %add3A_945 = arith.constant 1 : i32
      %add3A_946 = vector.broadcast %add3A_945 : i32 to vector<16xi32>
      %add3A_947 = arith.addi %iota3A, %add3A_946 : vector<16xi32>
      %and3A_948 = arith.constant 15 : i32
      %and3A_949 = vector.broadcast %and3A_948 : i32 to vector<16xi32>
      %and3A_950 = arith.andi %add3A_947, %and3A_949 : vector<16xi32>
      %broadcast_in_dim3A_951 = vector.shape_cast %and3A_950 : vector<16xi32> to vector<16x1xi32>
      %gather3A_952 = vector.shape_cast %broadcast_in_dim3A_951 : vector<16x1xi32> to vector<16xi32>
      %gather3A_953 = tpu.dynamic_gather %max3A_944[%gather3A_952] in [0] : vector<16xf32>, vector<16xi32> -> vector<16xf32>
      %max3A_954 = arith.maximumf %max3A_944, %gather3A_953 : vector<16xf32>
      %eq3A_955 = arith.cmpf oeq, %select_n3A_890, %max3A_954 : vector<16xf32>
      %add3A_956 = arith.constant 0 : i32
      %add3A_957 = vector.broadcast %add3A_956 : i32 to vector<16xi32>
      %add3A_958 = arith.addi %iota3A, %add3A_957 : vector<16xi32>
      %jit3A_959 = arith.constant 1073741824 : i32
      %broadcast_in_dim3A_960 = vector.broadcast %jit3A_959 : i32 to vector<16xi32>
      %select_n3A_961 = arith.select %eq3A_955, %add3A_958, %broadcast_in_dim3A_960 : vector<16xi1>, vector<16xi32>
      %eq3A_962 = arith.cmpf oeq, %select_n3A_897, %max3A_954 : vector<16xf32>
      %add3A_963 = arith.constant 16 : i32
      %add3A_964 = vector.broadcast %add3A_963 : i32 to vector<16xi32>
      %add3A_965 = arith.addi %iota3A, %add3A_964 : vector<16xi32>
      %jit3A_966 = arith.constant 1073741824 : i32
      %broadcast_in_dim3A_967 = vector.broadcast %jit3A_966 : i32 to vector<16xi32>
      %select_n3A_968 = arith.select %eq3A_962, %add3A_965, %broadcast_in_dim3A_967 : vector<16xi1>, vector<16xi32>
      %eq3A_969 = arith.cmpf oeq, %select_n3A_904, %max3A_954 : vector<16xf32>
      %add3A_970 = arith.constant 32 : i32
      %add3A_971 = vector.broadcast %add3A_970 : i32 to vector<16xi32>
      %add3A_972 = arith.addi %iota3A, %add3A_971 : vector<16xi32>
      %jit3A_973 = arith.constant 1073741824 : i32
      %broadcast_in_dim3A_974 = vector.broadcast %jit3A_973 : i32 to vector<16xi32>
      %select_n3A_975 = arith.select %eq3A_969, %add3A_972, %broadcast_in_dim3A_974 : vector<16xi1>, vector<16xi32>
      %eq3A_976 = arith.cmpf oeq, %select_n3A_911, %max3A_954 : vector<16xf32>
      %add3A_977 = arith.constant 48 : i32
      %add3A_978 = vector.broadcast %add3A_977 : i32 to vector<16xi32>
      %add3A_979 = arith.addi %iota3A, %add3A_978 : vector<16xi32>
      %jit3A_980 = arith.constant 1073741824 : i32
      %broadcast_in_dim3A_981 = vector.broadcast %jit3A_980 : i32 to vector<16xi32>
      %select_n3A_982 = arith.select %eq3A_976, %add3A_979, %broadcast_in_dim3A_981 : vector<16xi1>, vector<16xi32>
      %min3A_983 = arith.minsi %select_n3A_961, %select_n3A_968 : vector<16xi32>
      %min3A_984 = arith.minsi %min3A_983, %select_n3A_975 : vector<16xi32>
      %min3A_985 = arith.minsi %min3A_984, %select_n3A_982 : vector<16xi32>
      %add3A_986 = arith.constant 8 : i32
      %add3A_987 = vector.broadcast %add3A_986 : i32 to vector<16xi32>
      %add3A_988 = arith.addi %iota3A, %add3A_987 : vector<16xi32>
      %and3A_989 = arith.constant 15 : i32
      %and3A_990 = vector.broadcast %and3A_989 : i32 to vector<16xi32>
      %and3A_991 = arith.andi %add3A_988, %and3A_990 : vector<16xi32>
      %broadcast_in_dim3A_992 = vector.shape_cast %and3A_991 : vector<16xi32> to vector<16x1xi32>
      %gather3A_993 = vector.shape_cast %broadcast_in_dim3A_992 : vector<16x1xi32> to vector<16xi32>
      %gather3A_994 = tpu.dynamic_gather %min3A_985[%gather3A_993] in [0] : vector<16xi32>, vector<16xi32> -> vector<16xi32>
      %min3A_995 = arith.minsi %min3A_985, %gather3A_994 : vector<16xi32>
      %add3A_996 = arith.constant 4 : i32
      %add3A_997 = vector.broadcast %add3A_996 : i32 to vector<16xi32>
      %add3A_998 = arith.addi %iota3A, %add3A_997 : vector<16xi32>
      %and3A_999 = arith.constant 15 : i32
      %and3A_1000 = vector.broadcast %and3A_999 : i32 to vector<16xi32>
      %and3A_1001 = arith.andi %add3A_998, %and3A_1000 : vector<16xi32>
      %broadcast_in_dim3A_1002 = vector.shape_cast %and3A_1001 : vector<16xi32> to vector<16x1xi32>
      %gather3A_1003 = vector.shape_cast %broadcast_in_dim3A_1002 : vector<16x1xi32> to vector<16xi32>
      %gather3A_1004 = tpu.dynamic_gather %min3A_995[%gather3A_1003] in [0] : vector<16xi32>, vector<16xi32> -> vector<16xi32>
      %min3A_1005 = arith.minsi %min3A_995, %gather3A_1004 : vector<16xi32>
      %add3A_1006 = arith.constant 2 : i32
      %add3A_1007 = vector.broadcast %add3A_1006 : i32 to vector<16xi32>
      %add3A_1008 = arith.addi %iota3A, %add3A_1007 : vector<16xi32>
      %and3A_1009 = arith.constant 15 : i32
      %and3A_1010 = vector.broadcast %and3A_1009 : i32 to vector<16xi32>
      %and3A_1011 = arith.andi %add3A_1008, %and3A_1010 : vector<16xi32>
      %broadcast_in_dim3A_1012 = vector.shape_cast %and3A_1011 : vector<16xi32> to vector<16x1xi32>
      %gather3A_1013 = vector.shape_cast %broadcast_in_dim3A_1012 : vector<16x1xi32> to vector<16xi32>
      %gather3A_1014 = tpu.dynamic_gather %min3A_1005[%gather3A_1013] in [0] : vector<16xi32>, vector<16xi32> -> vector<16xi32>
      %min3A_1015 = arith.minsi %min3A_1005, %gather3A_1014 : vector<16xi32>
      %add3A_1016 = arith.constant 1 : i32
      %add3A_1017 = vector.broadcast %add3A_1016 : i32 to vector<16xi32>
      %add3A_1018 = arith.addi %iota3A, %add3A_1017 : vector<16xi32>
      %and3A_1019 = arith.constant 15 : i32
      %and3A_1020 = vector.broadcast %and3A_1019 : i32 to vector<16xi32>
      %and3A_1021 = arith.andi %add3A_1018, %and3A_1020 : vector<16xi32>
      %broadcast_in_dim3A_1022 = vector.shape_cast %and3A_1021 : vector<16xi32> to vector<16x1xi32>
      %gather3A_1023 = vector.shape_cast %broadcast_in_dim3A_1022 : vector<16x1xi32> to vector<16xi32>
      %gather3A_1024 = tpu.dynamic_gather %min3A_1015[%gather3A_1023] in [0] : vector<16xi32>, vector<16xi32> -> vector<16xi32>
      %min3A_1025 = arith.minsi %min3A_1015, %gather3A_1024 : vector<16xi32>
      %eq3A_1026 = arith.constant 6 : i32
      %eq3A_1027 = vector.broadcast %eq3A_1026 : i32 to vector<16xi32>
      %eq3A_1028 = arith.cmpi eq, %iota3A, %eq3A_1027 : vector<16xi32>
      %select_n3A_1029 = arith.select %eq3A_1028, %min3A_1025, %select_n3A_879 : vector<16xi1>, vector<16xi32>
      %eq3A_1030 = arith.constant 6 : i32
      %eq3A_1031 = vector.broadcast %eq3A_1030 : i32 to vector<16xi32>
      %eq3A_1032 = arith.cmpi eq, %iota3A, %eq3A_1031 : vector<16xi32>
      %select_n3A_1033 = arith.select %eq3A_1032, %max3A_954, %select_n3A_883 : vector<16xi1>, vector<16xf32>
      %add3A_1034 = arith.constant 0 : i32
      %add3A_1035 = vector.broadcast %add3A_1034 : i32 to vector<16xi32>
      %add3A_1036 = arith.addi %iota3A, %add3A_1035 : vector<16xi32>
      %eq3A_1037 = arith.cmpi eq, %add3A_1036, %min3A_1025 : vector<16xi32>
      %jit3A_1038 = arith.constant -3.000000e+38 : f32
      %broadcast_in_dim3A_1039 = vector.broadcast %jit3A_1038 : f32 to vector<16xf32>
      %select_n3A_1040 = arith.select %eq3A_1037, %broadcast_in_dim3A_1039, %select_n3A_890 : vector<16xi1>, vector<16xf32>
      %add3A_1041 = arith.constant 16 : i32
      %add3A_1042 = vector.broadcast %add3A_1041 : i32 to vector<16xi32>
      %add3A_1043 = arith.addi %iota3A, %add3A_1042 : vector<16xi32>
      %eq3A_1044 = arith.cmpi eq, %add3A_1043, %min3A_1025 : vector<16xi32>
      %jit3A_1045 = arith.constant -3.000000e+38 : f32
      %broadcast_in_dim3A_1046 = vector.broadcast %jit3A_1045 : f32 to vector<16xf32>
      %select_n3A_1047 = arith.select %eq3A_1044, %broadcast_in_dim3A_1046, %select_n3A_897 : vector<16xi1>, vector<16xf32>
      %add3A_1048 = arith.constant 32 : i32
      %add3A_1049 = vector.broadcast %add3A_1048 : i32 to vector<16xi32>
      %add3A_1050 = arith.addi %iota3A, %add3A_1049 : vector<16xi32>
      %eq3A_1051 = arith.cmpi eq, %add3A_1050, %min3A_1025 : vector<16xi32>
      %jit3A_1052 = arith.constant -3.000000e+38 : f32
      %broadcast_in_dim3A_1053 = vector.broadcast %jit3A_1052 : f32 to vector<16xf32>
      %select_n3A_1054 = arith.select %eq3A_1051, %broadcast_in_dim3A_1053, %select_n3A_904 : vector<16xi1>, vector<16xf32>
      %add3A_1055 = arith.constant 48 : i32
      %add3A_1056 = vector.broadcast %add3A_1055 : i32 to vector<16xi32>
      %add3A_1057 = arith.addi %iota3A, %add3A_1056 : vector<16xi32>
      %eq3A_1058 = arith.cmpi eq, %add3A_1057, %min3A_1025 : vector<16xi32>
      %jit3A_1059 = arith.constant -3.000000e+38 : f32
      %broadcast_in_dim3A_1060 = vector.broadcast %jit3A_1059 : f32 to vector<16xf32>
      %select_n3A_1061 = arith.select %eq3A_1058, %broadcast_in_dim3A_1060, %select_n3A_911 : vector<16xi1>, vector<16xf32>
      %max3A_1062 = arith.maximumf %select_n3A_1040, %select_n3A_1047 : vector<16xf32>
      %max3A_1063 = arith.maximumf %max3A_1062, %select_n3A_1054 : vector<16xf32>
      %max3A_1064 = arith.maximumf %max3A_1063, %select_n3A_1061 : vector<16xf32>
      %add3A_1065 = arith.constant 8 : i32
      %add3A_1066 = vector.broadcast %add3A_1065 : i32 to vector<16xi32>
      %add3A_1067 = arith.addi %iota3A, %add3A_1066 : vector<16xi32>
      %and3A_1068 = arith.constant 15 : i32
      %and3A_1069 = vector.broadcast %and3A_1068 : i32 to vector<16xi32>
      %and3A_1070 = arith.andi %add3A_1067, %and3A_1069 : vector<16xi32>
      %broadcast_in_dim3A_1071 = vector.shape_cast %and3A_1070 : vector<16xi32> to vector<16x1xi32>
      %gather3A_1072 = vector.shape_cast %broadcast_in_dim3A_1071 : vector<16x1xi32> to vector<16xi32>
      %gather3A_1073 = tpu.dynamic_gather %max3A_1064[%gather3A_1072] in [0] : vector<16xf32>, vector<16xi32> -> vector<16xf32>
      %max3A_1074 = arith.maximumf %max3A_1064, %gather3A_1073 : vector<16xf32>
      %add3A_1075 = arith.constant 4 : i32
      %add3A_1076 = vector.broadcast %add3A_1075 : i32 to vector<16xi32>
      %add3A_1077 = arith.addi %iota3A, %add3A_1076 : vector<16xi32>
      %and3A_1078 = arith.constant 15 : i32
      %and3A_1079 = vector.broadcast %and3A_1078 : i32 to vector<16xi32>
      %and3A_1080 = arith.andi %add3A_1077, %and3A_1079 : vector<16xi32>
      %broadcast_in_dim3A_1081 = vector.shape_cast %and3A_1080 : vector<16xi32> to vector<16x1xi32>
      %gather3A_1082 = vector.shape_cast %broadcast_in_dim3A_1081 : vector<16x1xi32> to vector<16xi32>
      %gather3A_1083 = tpu.dynamic_gather %max3A_1074[%gather3A_1082] in [0] : vector<16xf32>, vector<16xi32> -> vector<16xf32>
      %max3A_1084 = arith.maximumf %max3A_1074, %gather3A_1083 : vector<16xf32>
      %add3A_1085 = arith.constant 2 : i32
      %add3A_1086 = vector.broadcast %add3A_1085 : i32 to vector<16xi32>
      %add3A_1087 = arith.addi %iota3A, %add3A_1086 : vector<16xi32>
      %and3A_1088 = arith.constant 15 : i32
      %and3A_1089 = vector.broadcast %and3A_1088 : i32 to vector<16xi32>
      %and3A_1090 = arith.andi %add3A_1087, %and3A_1089 : vector<16xi32>
      %broadcast_in_dim3A_1091 = vector.shape_cast %and3A_1090 : vector<16xi32> to vector<16x1xi32>
      %gather3A_1092 = vector.shape_cast %broadcast_in_dim3A_1091 : vector<16x1xi32> to vector<16xi32>
      %gather3A_1093 = tpu.dynamic_gather %max3A_1084[%gather3A_1092] in [0] : vector<16xf32>, vector<16xi32> -> vector<16xf32>
      %max3A_1094 = arith.maximumf %max3A_1084, %gather3A_1093 : vector<16xf32>
      %add3A_1095 = arith.constant 1 : i32
      %add3A_1096 = vector.broadcast %add3A_1095 : i32 to vector<16xi32>
      %add3A_1097 = arith.addi %iota3A, %add3A_1096 : vector<16xi32>
      %and3A_1098 = arith.constant 15 : i32
      %and3A_1099 = vector.broadcast %and3A_1098 : i32 to vector<16xi32>
      %and3A_1100 = arith.andi %add3A_1097, %and3A_1099 : vector<16xi32>
      %broadcast_in_dim3A_1101 = vector.shape_cast %and3A_1100 : vector<16xi32> to vector<16x1xi32>
      %gather3A_1102 = vector.shape_cast %broadcast_in_dim3A_1101 : vector<16x1xi32> to vector<16xi32>
      %gather3A_1103 = tpu.dynamic_gather %max3A_1094[%gather3A_1102] in [0] : vector<16xf32>, vector<16xi32> -> vector<16xf32>
      %max3A_1104 = arith.maximumf %max3A_1094, %gather3A_1103 : vector<16xf32>
      %eq3A_1105 = arith.cmpf oeq, %select_n3A_1040, %max3A_1104 : vector<16xf32>
      %add3A_1106 = arith.constant 0 : i32
      %add3A_1107 = vector.broadcast %add3A_1106 : i32 to vector<16xi32>
      %add3A_1108 = arith.addi %iota3A, %add3A_1107 : vector<16xi32>
      %jit3A_1109 = arith.constant 1073741824 : i32
      %broadcast_in_dim3A_1110 = vector.broadcast %jit3A_1109 : i32 to vector<16xi32>
      %select_n3A_1111 = arith.select %eq3A_1105, %add3A_1108, %broadcast_in_dim3A_1110 : vector<16xi1>, vector<16xi32>
      %eq3A_1112 = arith.cmpf oeq, %select_n3A_1047, %max3A_1104 : vector<16xf32>
      %add3A_1113 = arith.constant 16 : i32
      %add3A_1114 = vector.broadcast %add3A_1113 : i32 to vector<16xi32>
      %add3A_1115 = arith.addi %iota3A, %add3A_1114 : vector<16xi32>
      %jit3A_1116 = arith.constant 1073741824 : i32
      %broadcast_in_dim3A_1117 = vector.broadcast %jit3A_1116 : i32 to vector<16xi32>
      %select_n3A_1118 = arith.select %eq3A_1112, %add3A_1115, %broadcast_in_dim3A_1117 : vector<16xi1>, vector<16xi32>
      %eq3A_1119 = arith.cmpf oeq, %select_n3A_1054, %max3A_1104 : vector<16xf32>
      %add3A_1120 = arith.constant 32 : i32
      %add3A_1121 = vector.broadcast %add3A_1120 : i32 to vector<16xi32>
      %add3A_1122 = arith.addi %iota3A, %add3A_1121 : vector<16xi32>
      %jit3A_1123 = arith.constant 1073741824 : i32
      %broadcast_in_dim3A_1124 = vector.broadcast %jit3A_1123 : i32 to vector<16xi32>
      %select_n3A_1125 = arith.select %eq3A_1119, %add3A_1122, %broadcast_in_dim3A_1124 : vector<16xi1>, vector<16xi32>
      %eq3A_1126 = arith.cmpf oeq, %select_n3A_1061, %max3A_1104 : vector<16xf32>
      %add3A_1127 = arith.constant 48 : i32
      %add3A_1128 = vector.broadcast %add3A_1127 : i32 to vector<16xi32>
      %add3A_1129 = arith.addi %iota3A, %add3A_1128 : vector<16xi32>
      %jit3A_1130 = arith.constant 1073741824 : i32
      %broadcast_in_dim3A_1131 = vector.broadcast %jit3A_1130 : i32 to vector<16xi32>
      %select_n3A_1132 = arith.select %eq3A_1126, %add3A_1129, %broadcast_in_dim3A_1131 : vector<16xi1>, vector<16xi32>
      %min3A_1133 = arith.minsi %select_n3A_1111, %select_n3A_1118 : vector<16xi32>
      %min3A_1134 = arith.minsi %min3A_1133, %select_n3A_1125 : vector<16xi32>
      %min3A_1135 = arith.minsi %min3A_1134, %select_n3A_1132 : vector<16xi32>
      %add3A_1136 = arith.constant 8 : i32
      %add3A_1137 = vector.broadcast %add3A_1136 : i32 to vector<16xi32>
      %add3A_1138 = arith.addi %iota3A, %add3A_1137 : vector<16xi32>
      %and3A_1139 = arith.constant 15 : i32
      %and3A_1140 = vector.broadcast %and3A_1139 : i32 to vector<16xi32>
      %and3A_1141 = arith.andi %add3A_1138, %and3A_1140 : vector<16xi32>
      %broadcast_in_dim3A_1142 = vector.shape_cast %and3A_1141 : vector<16xi32> to vector<16x1xi32>
      %gather3A_1143 = vector.shape_cast %broadcast_in_dim3A_1142 : vector<16x1xi32> to vector<16xi32>
      %gather3A_1144 = tpu.dynamic_gather %min3A_1135[%gather3A_1143] in [0] : vector<16xi32>, vector<16xi32> -> vector<16xi32>
      %min3A_1145 = arith.minsi %min3A_1135, %gather3A_1144 : vector<16xi32>
      %add3A_1146 = arith.constant 4 : i32
      %add3A_1147 = vector.broadcast %add3A_1146 : i32 to vector<16xi32>
      %add3A_1148 = arith.addi %iota3A, %add3A_1147 : vector<16xi32>
      %and3A_1149 = arith.constant 15 : i32
      %and3A_1150 = vector.broadcast %and3A_1149 : i32 to vector<16xi32>
      %and3A_1151 = arith.andi %add3A_1148, %and3A_1150 : vector<16xi32>
      %broadcast_in_dim3A_1152 = vector.shape_cast %and3A_1151 : vector<16xi32> to vector<16x1xi32>
      %gather3A_1153 = vector.shape_cast %broadcast_in_dim3A_1152 : vector<16x1xi32> to vector<16xi32>
      %gather3A_1154 = tpu.dynamic_gather %min3A_1145[%gather3A_1153] in [0] : vector<16xi32>, vector<16xi32> -> vector<16xi32>
      %min3A_1155 = arith.minsi %min3A_1145, %gather3A_1154 : vector<16xi32>
      %add3A_1156 = arith.constant 2 : i32
      %add3A_1157 = vector.broadcast %add3A_1156 : i32 to vector<16xi32>
      %add3A_1158 = arith.addi %iota3A, %add3A_1157 : vector<16xi32>
      %and3A_1159 = arith.constant 15 : i32
      %and3A_1160 = vector.broadcast %and3A_1159 : i32 to vector<16xi32>
      %and3A_1161 = arith.andi %add3A_1158, %and3A_1160 : vector<16xi32>
      %broadcast_in_dim3A_1162 = vector.shape_cast %and3A_1161 : vector<16xi32> to vector<16x1xi32>
      %gather3A_1163 = vector.shape_cast %broadcast_in_dim3A_1162 : vector<16x1xi32> to vector<16xi32>
      %gather3A_1164 = tpu.dynamic_gather %min3A_1155[%gather3A_1163] in [0] : vector<16xi32>, vector<16xi32> -> vector<16xi32>
      %min3A_1165 = arith.minsi %min3A_1155, %gather3A_1164 : vector<16xi32>
      %add3A_1166 = arith.constant 1 : i32
      %add3A_1167 = vector.broadcast %add3A_1166 : i32 to vector<16xi32>
      %add3A_1168 = arith.addi %iota3A, %add3A_1167 : vector<16xi32>
      %and3A_1169 = arith.constant 15 : i32
      %and3A_1170 = vector.broadcast %and3A_1169 : i32 to vector<16xi32>
      %and3A_1171 = arith.andi %add3A_1168, %and3A_1170 : vector<16xi32>
      %broadcast_in_dim3A_1172 = vector.shape_cast %and3A_1171 : vector<16xi32> to vector<16x1xi32>
      %gather3A_1173 = vector.shape_cast %broadcast_in_dim3A_1172 : vector<16x1xi32> to vector<16xi32>
      %gather3A_1174 = tpu.dynamic_gather %min3A_1165[%gather3A_1173] in [0] : vector<16xi32>, vector<16xi32> -> vector<16xi32>
      %min3A_1175 = arith.minsi %min3A_1165, %gather3A_1174 : vector<16xi32>
      %eq3A_1176 = arith.constant 7 : i32
      %eq3A_1177 = vector.broadcast %eq3A_1176 : i32 to vector<16xi32>
      %eq3A_1178 = arith.cmpi eq, %iota3A, %eq3A_1177 : vector<16xi32>
      %select_n3A_1179 = arith.select %eq3A_1178, %min3A_1175, %select_n3A_1029 : vector<16xi1>, vector<16xi32>
      %eq3A_1180 = arith.constant 7 : i32
      %eq3A_1181 = vector.broadcast %eq3A_1180 : i32 to vector<16xi32>
      %eq3A_1182 = arith.cmpi eq, %iota3A, %eq3A_1181 : vector<16xi32>
      %select_n3A_1183 = arith.select %eq3A_1182, %max3A_1104, %select_n3A_1033 : vector<16xi1>, vector<16xf32>
      %add3A_1184 = arith.constant 0 : i32
      %add3A_1185 = vector.broadcast %add3A_1184 : i32 to vector<16xi32>
      %add3A_1186 = arith.addi %iota3A, %add3A_1185 : vector<16xi32>
      %eq3A_1187 = arith.cmpi eq, %add3A_1186, %min3A_1175 : vector<16xi32>
      %jit3A_1188 = arith.constant -3.000000e+38 : f32
      %broadcast_in_dim3A_1189 = vector.broadcast %jit3A_1188 : f32 to vector<16xf32>
      %select_n3A_1190 = arith.select %eq3A_1187, %broadcast_in_dim3A_1189, %select_n3A_1040 : vector<16xi1>, vector<16xf32>
      %add3A_1191 = arith.constant 16 : i32
      %add3A_1192 = vector.broadcast %add3A_1191 : i32 to vector<16xi32>
      %add3A_1193 = arith.addi %iota3A, %add3A_1192 : vector<16xi32>
      %eq3A_1194 = arith.cmpi eq, %add3A_1193, %min3A_1175 : vector<16xi32>
      %jit3A_1195 = arith.constant -3.000000e+38 : f32
      %broadcast_in_dim3A_1196 = vector.broadcast %jit3A_1195 : f32 to vector<16xf32>
      %select_n3A_1197 = arith.select %eq3A_1194, %broadcast_in_dim3A_1196, %select_n3A_1047 : vector<16xi1>, vector<16xf32>
      %add3A_1198 = arith.constant 32 : i32
      %add3A_1199 = vector.broadcast %add3A_1198 : i32 to vector<16xi32>
      %add3A_1200 = arith.addi %iota3A, %add3A_1199 : vector<16xi32>
      %eq3A_1201 = arith.cmpi eq, %add3A_1200, %min3A_1175 : vector<16xi32>
      %jit3A_1202 = arith.constant -3.000000e+38 : f32
      %broadcast_in_dim3A_1203 = vector.broadcast %jit3A_1202 : f32 to vector<16xf32>
      %select_n3A_1204 = arith.select %eq3A_1201, %broadcast_in_dim3A_1203, %select_n3A_1054 : vector<16xi1>, vector<16xf32>
      %add3A_1205 = arith.constant 48 : i32
      %add3A_1206 = vector.broadcast %add3A_1205 : i32 to vector<16xi32>
      %add3A_1207 = arith.addi %iota3A, %add3A_1206 : vector<16xi32>
      %eq3A_1208 = arith.cmpi eq, %add3A_1207, %min3A_1175 : vector<16xi32>
      %jit3A_1209 = arith.constant -3.000000e+38 : f32
      %broadcast_in_dim3A_1210 = vector.broadcast %jit3A_1209 : f32 to vector<16xf32>
      %select_n3A_1211 = arith.select %eq3A_1208, %broadcast_in_dim3A_1210, %select_n3A_1061 : vector<16xi1>, vector<16xf32>
      %lt3A_1212 = arith.constant 8 : i32
      %lt3A_1213 = vector.broadcast %lt3A_1212 : i32 to vector<16xi32>
      %lt3A_1214 = arith.cmpi slt, %iota3A, %lt3A_1213 : vector<16xi32>
      %sub3A = arith.subf %select_n3A_1183, %max3A_58 : vector<16xf32>
      %exp3A = math.exp %sub3A : vector<16xf32>
      %jit3A_1215 = arith.constant 0.000000e+00 : f32
      %broadcast_in_dim3A_1216 = vector.broadcast %jit3A_1215 : f32 to vector<16xf32>
      %select_n3A_1217 = arith.select %lt3A_1214, %exp3A, %broadcast_in_dim3A_1216 : vector<16xi1>, vector<16xf32>
      %add3A_1218 = arith.constant 8 : i32
      %add3A_1219 = vector.broadcast %add3A_1218 : i32 to vector<16xi32>
      %add3A_1220 = arith.addi %iota3A, %add3A_1219 : vector<16xi32>
      %and3A_1221 = arith.constant 15 : i32
      %and3A_1222 = vector.broadcast %and3A_1221 : i32 to vector<16xi32>
      %and3A_1223 = arith.andi %add3A_1220, %and3A_1222 : vector<16xi32>
      %broadcast_in_dim3A_1224 = vector.shape_cast %and3A_1223 : vector<16xi32> to vector<16x1xi32>
      %gather3A_1225 = vector.shape_cast %broadcast_in_dim3A_1224 : vector<16x1xi32> to vector<16xi32>
      %gather3A_1226 = tpu.dynamic_gather %select_n3A_1217[%gather3A_1225] in [0] : vector<16xf32>, vector<16xi32> -> vector<16xf32>
      %add3A_1227 = arith.addf %select_n3A_1217, %gather3A_1226 : vector<16xf32>
      %add3A_1228 = arith.constant 4 : i32
      %add3A_1229 = vector.broadcast %add3A_1228 : i32 to vector<16xi32>
      %add3A_1230 = arith.addi %iota3A, %add3A_1229 : vector<16xi32>
      %and3A_1231 = arith.constant 15 : i32
      %and3A_1232 = vector.broadcast %and3A_1231 : i32 to vector<16xi32>
      %and3A_1233 = arith.andi %add3A_1230, %and3A_1232 : vector<16xi32>
      %broadcast_in_dim3A_1234 = vector.shape_cast %and3A_1233 : vector<16xi32> to vector<16x1xi32>
      %gather3A_1235 = vector.shape_cast %broadcast_in_dim3A_1234 : vector<16x1xi32> to vector<16xi32>
      %gather3A_1236 = tpu.dynamic_gather %add3A_1227[%gather3A_1235] in [0] : vector<16xf32>, vector<16xi32> -> vector<16xf32>
      %add3A_1237 = arith.addf %add3A_1227, %gather3A_1236 : vector<16xf32>
      %add3A_1238 = arith.constant 2 : i32
      %add3A_1239 = vector.broadcast %add3A_1238 : i32 to vector<16xi32>
      %add3A_1240 = arith.addi %iota3A, %add3A_1239 : vector<16xi32>
      %and3A_1241 = arith.constant 15 : i32
      %and3A_1242 = vector.broadcast %and3A_1241 : i32 to vector<16xi32>
      %and3A_1243 = arith.andi %add3A_1240, %and3A_1242 : vector<16xi32>
      %broadcast_in_dim3A_1244 = vector.shape_cast %and3A_1243 : vector<16xi32> to vector<16x1xi32>
      %gather3A_1245 = vector.shape_cast %broadcast_in_dim3A_1244 : vector<16x1xi32> to vector<16xi32>
      %gather3A_1246 = tpu.dynamic_gather %add3A_1237[%gather3A_1245] in [0] : vector<16xf32>, vector<16xi32> -> vector<16xf32>
      %add3A_1247 = arith.addf %add3A_1237, %gather3A_1246 : vector<16xf32>
      %add3A_1248 = arith.constant 1 : i32
      %add3A_1249 = vector.broadcast %add3A_1248 : i32 to vector<16xi32>
      %add3A_1250 = arith.addi %iota3A, %add3A_1249 : vector<16xi32>
      %and3A_1251 = arith.constant 15 : i32
      %and3A_1252 = vector.broadcast %and3A_1251 : i32 to vector<16xi32>
      %and3A_1253 = arith.andi %add3A_1250, %and3A_1252 : vector<16xi32>
      %broadcast_in_dim3A_1254 = vector.shape_cast %and3A_1253 : vector<16xi32> to vector<16x1xi32>
      %gather3A_1255 = vector.shape_cast %broadcast_in_dim3A_1254 : vector<16x1xi32> to vector<16xi32>
      %gather3A_1256 = tpu.dynamic_gather %add3A_1247[%gather3A_1255] in [0] : vector<16xf32>, vector<16xi32> -> vector<16xf32>
      %add3A_1257 = arith.addf %add3A_1247, %gather3A_1256 : vector<16xf32>
      %swap3A = arith.constant 0 : index
      %swap3A_1258 = tpu.vector_load %arg6[%swap3A] {strides = array<i32>} : memref<16xi32, #tpu.memory_space<vmem>>, vector<16xi32>,
      %swap3A_1259 = vector.shape_cast %swap3A_1258 : vector<16xi32> to vector<16xi32>
      %swap3A_1260 = vector.shape_cast %select_n3A_1179 : vector<16xi32> to vector<16xi32>
      tpu.vector_store %arg6[%swap3A], %swap3A_1260 {strides = array<i32>} : memref<16xi32, #tpu.memory_space<vmem>>, vector<16xi32>,
      %div3A = arith.divf %select_n3A_1217, %add3A_1257 : vector<16xf32>
      %swap3A_1261 = arith.constant 0 : index
      %swap3A_1262 = tpu.vector_load %arg7[%swap3A_1261] {strides = array<i32>} : memref<16xf32, #tpu.memory_space<vmem>>, vector<16xf32>,
      %swap3A_1263 = vector.shape_cast %swap3A_1262 : vector<16xf32> to vector<16xf32>
      %swap3A_1264 = vector.shape_cast %div3A : vector<16xf32> to vector<16xf32>
      tpu.vector_store %arg7[%swap3A_1261], %swap3A_1264 {strides = array<i32>} : memref<16xf32, #tpu.memory_space<vmem>>, vector<16xf32>,
      "tpu.region"() ({
        %run_scoped3A = tpu.sem_alloc : memref<!tpu.dma_semaphore, #tpu.memory_space<semaphore_mem>>
        %dma_start3A = arith.constant 0 : i32
        %dma_start3A_1265 = tpu.memref_slice %arg3[%add3A, %dma_start3A] : memref<4x16xi32, #tpu.memory_space<hbm>> -> memref<1x16xi32, #tpu.memory_space<hbm>>
        %dma_start3A_1266 = tpu.memref_squeeze %dma_start3A_1265 : memref<1x16xi32, #tpu.memory_space<hbm>> -> memref<16xi32, #tpu.memory_space<hbm>>
        %dma_start3A_1267 = arith.constant 0 : i32
        %dma_start3A_1268 = tpu.memref_slice %arg3[%add3A, %dma_start3A_1267] : memref<4x16xi32, #tpu.memory_space<hbm>> -> memref<1x16xi32, #tpu.memory_space<hbm>>
        %dma_start3A_1269 = tpu.memref_squeeze %dma_start3A_1268 : memref<1x16xi32, #tpu.memory_space<hbm>> -> memref<16xi32, #tpu.memory_space<hbm>>
        tpu.enqueue_dma source(%arg6 : memref<16xi32, #tpu.memory_space<vmem>>) target(%dma_start3A_1269 : memref<16xi32, #tpu.memory_space<hbm>>) target_semaphore(%run_scoped3A : memref<!tpu.dma_semaphore, #tpu.memory_space<semaphore_mem>>)
        %dma_wait3A = arith.constant 0 : i32
        %dma_wait3A_1270 = tpu.memref_slice %arg3[%add3A, %dma_wait3A] : memref<4x16xi32, #tpu.memory_space<hbm>> -> memref<1x16xi32, #tpu.memory_space<hbm>>
        %dma_wait3A_1271 = tpu.memref_squeeze %dma_wait3A_1270 : memref<1x16xi32, #tpu.memory_space<hbm>> -> memref<16xi32, #tpu.memory_space<hbm>>
        %dma_wait3A_1272 = arith.constant 0 : i32
        %dma_wait3A_1273 = tpu.memref_slice %arg3[%add3A, %dma_wait3A_1272] : memref<4x16xi32, #tpu.memory_space<hbm>> -> memref<1x16xi32, #tpu.memory_space<hbm>>
        %dma_wait3A_1274 = tpu.memref_squeeze %dma_wait3A_1273 : memref<1x16xi32, #tpu.memory_space<hbm>> -> memref<16xi32, #tpu.memory_space<hbm>>
        tpu.wait_dma2 semaphore(%run_scoped3A : memref<!tpu.dma_semaphore, #tpu.memory_space<semaphore_mem>>) src(%arg6 : memref<16xi32, #tpu.memory_space<vmem>>) dst(%dma_wait3A_1274 : memref<16xi32, #tpu.memory_space<hbm>>)
        tpu.yield
      }) : () -> ()
      "tpu.region"() ({
        %run_scoped3A = tpu.sem_alloc : memref<!tpu.dma_semaphore, #tpu.memory_space<semaphore_mem>>
        %dma_start3A = arith.constant 0 : i32
        %dma_start3A_1265 = tpu.memref_slice %arg4[%add3A, %dma_start3A] : memref<4x16xf32, #tpu.memory_space<hbm>> -> memref<1x16xf32, #tpu.memory_space<hbm>>
        %dma_start3A_1266 = tpu.memref_squeeze %dma_start3A_1265 : memref<1x16xf32, #tpu.memory_space<hbm>> -> memref<16xf32, #tpu.memory_space<hbm>>
        %dma_start3A_1267 = arith.constant 0 : i32
        %dma_start3A_1268 = tpu.memref_slice %arg4[%add3A, %dma_start3A_1267] : memref<4x16xf32, #tpu.memory_space<hbm>> -> memref<1x16xf32, #tpu.memory_space<hbm>>
        %dma_start3A_1269 = tpu.memref_squeeze %dma_start3A_1268 : memref<1x16xf32, #tpu.memory_space<hbm>> -> memref<16xf32, #tpu.memory_space<hbm>>
        tpu.enqueue_dma source(%arg7 : memref<16xf32, #tpu.memory_space<vmem>>) target(%dma_start3A_1269 : memref<16xf32, #tpu.memory_space<hbm>>) target_semaphore(%run_scoped3A : memref<!tpu.dma_semaphore, #tpu.memory_space<semaphore_mem>>)
        %dma_wait3A = arith.constant 0 : i32
        %dma_wait3A_1270 = tpu.memref_slice %arg4[%add3A, %dma_wait3A] : memref<4x16xf32, #tpu.memory_space<hbm>> -> memref<1x16xf32, #tpu.memory_space<hbm>>
        %dma_wait3A_1271 = tpu.memref_squeeze %dma_wait3A_1270 : memref<1x16xf32, #tpu.memory_space<hbm>> -> memref<16xf32, #tpu.memory_space<hbm>>
        %dma_wait3A_1272 = arith.constant 0 : i32
        %dma_wait3A_1273 = tpu.memref_slice %arg4[%add3A, %dma_wait3A_1272] : memref<4x16xf32, #tpu.memory_space<hbm>> -> memref<1x16xf32, #tpu.memory_space<hbm>>
        %dma_wait3A_1274 = tpu.memref_squeeze %dma_wait3A_1273 : memref<1x16xf32, #tpu.memory_space<hbm>> -> memref<16xf32, #tpu.memory_space<hbm>>
        tpu.wait_dma2 semaphore(%run_scoped3A : memref<!tpu.dma_semaphore, #tpu.memory_space<semaphore_mem>>) src(%arg7 : memref<16xf32, #tpu.memory_space<vmem>>) dst(%dma_wait3A_1274 : memref<16xf32, #tpu.memory_space<hbm>>)
        tpu.yield
      }) : () -> ()
    } else {
    }
    return
  }
}

module attributes {stable_mosaic.version = 14 : i64} {
  func.func @_tc_dense_kernel(%arg0: i32, %arg1: memref<4x2048x4096xf32, #tpu.memory_space<any>>, %arg2: memref<64x4096xf32, #tpu.memory_space<any>>, %arg3: memref<1x64xf32, #tpu.memory_space<vmem>>, %arg4: memref<4x64x4096xf32, #tpu.memory_space<any>>, %arg5: memref<4x64xf32, #tpu.memory_space<vmem>>, %arg6: memref<4x64x4096xf32, #tpu.memory_space<vmem>>, %arg7: memref<64x4096xf32, #tpu.memory_space<vmem>>, %arg8: memref<4x!tpu.dma_semaphore, #tpu.memory_space<semaphore_mem>>, %arg9: memref<!tpu.dma_semaphore, #tpu.memory_space<semaphore_mem>>, %arg10: memref<4x!tpu.dma_semaphore, #tpu.memory_space<semaphore_mem>>) attributes {dimension_semantics = [#tpu.dimension_semantics<arbitrary>], iteration_bounds = array<i64: 1>, scalar_prefetch = 0 : i64, scratch_operands = 5 : i64, tpu.core_type = #tpu.core_type<tc>, window_params = [{}, {}, {pipeline_mode = #tpu.pipeline_mode<synchronous>, transform_indices = @transform_2, window_bounds = array<i64: 1, 64>}, {}, {pipeline_mode = #tpu.pipeline_mode<synchronous>, transform_indices = @transform_4, window_bounds = array<i64: 4, 64>}]} {
    %dma_start3A = arith.constant 0 : i32
    %dma_start3A_0 = arith.constant 0 : i32
    %dma_start3A_1 = arith.constant 0 : i32
    %dma_start3A_2 = tpu.memref_slice %arg8[%dma_start3A_1] : memref<4x!tpu.dma_semaphore, #tpu.memory_space<semaphore_mem>> -> memref<1x!tpu.dma_semaphore, #tpu.memory_space<semaphore_mem>>
    %dma_start3A_3 = tpu.memref_squeeze %dma_start3A_2 : memref<1x!tpu.dma_semaphore, #tpu.memory_space<semaphore_mem>> -> memref<!tpu.dma_semaphore, #tpu.memory_space<semaphore_mem>>
    %dma_start3A_4 = arith.constant 0 : i32
    %dma_start3A_5 = arith.constant 0 : i32
    %dma_start3A_6 = tpu.memref_slice %arg6[%dma_start3A_0, %dma_start3A_4, %dma_start3A_5] : memref<4x64x4096xf32, #tpu.memory_space<vmem>> -> memref<1x64x4096xf32, #tpu.memory_space<vmem>>
    %dma_start3A_7 = tpu.memref_squeeze %dma_start3A_6 : memref<1x64x4096xf32, #tpu.memory_space<vmem>> -> memref<64x4096xf32, #tpu.memory_space<vmem>>
    %dma_start3A_8 = arith.constant 1984 : i32
    %dma_start3A_9 = arith.constant 0 : i32
    %dma_start3A_10 = tpu.memref_slice %arg1[%dma_start3A, %dma_start3A_8, %dma_start3A_9] : memref<4x2048x4096xf32, #tpu.memory_space<any>> -> memref<1x64x4096xf32, #tpu.memory_space<any>>
    %dma_start3A_11 = tpu.memref_squeeze %dma_start3A_10 : memref<1x64x4096xf32, #tpu.memory_space<any>> -> memref<64x4096xf32, #tpu.memory_space<any>>
    tpu.enqueue_dma source(%dma_start3A_11 : memref<64x4096xf32, #tpu.memory_space<any>>) target(%dma_start3A_7 : memref<64x4096xf32, #tpu.memory_space<vmem>>) target_semaphore(%dma_start3A_3 : memref<!tpu.dma_semaphore, #tpu.memory_space<semaphore_mem>>)
    %dma_start3A_12 = arith.constant 1 : i32
    %dma_start3A_13 = arith.constant 1 : i32
    %dma_start3A_14 = arith.constant 1 : i32
    %dma_start3A_15 = tpu.memref_slice %arg8[%dma_start3A_14] : memref<4x!tpu.dma_semaphore, #tpu.memory_space<semaphore_mem>> -> memref<1x!tpu.dma_semaphore, #tpu.memory_space<semaphore_mem>>
    %dma_start3A_16 = tpu.memref_squeeze %dma_start3A_15 : memref<1x!tpu.dma_semaphore, #tpu.memory_space<semaphore_mem>> -> memref<!tpu.dma_semaphore, #tpu.memory_space<semaphore_mem>>
    %dma_start3A_17 = arith.constant 0 : i32
    %dma_start3A_18 = arith.constant 0 : i32
    %dma_start3A_19 = tpu.memref_slice %arg6[%dma_start3A_13, %dma_start3A_17, %dma_start3A_18] : memref<4x64x4096xf32, #tpu.memory_space<vmem>> -> memref<1x64x4096xf32, #tpu.memory_space<vmem>>
    %dma_start3A_20 = tpu.memref_squeeze %dma_start3A_19 : memref<1x64x4096xf32, #tpu.memory_space<vmem>> -> memref<64x4096xf32, #tpu.memory_space<vmem>>
    %dma_start3A_21 = arith.constant 1984 : i32
    %dma_start3A_22 = arith.constant 0 : i32
    %dma_start3A_23 = tpu.memref_slice %arg1[%dma_start3A_12, %dma_start3A_21, %dma_start3A_22] : memref<4x2048x4096xf32, #tpu.memory_space<any>> -> memref<1x64x4096xf32, #tpu.memory_space<any>>
    %dma_start3A_24 = tpu.memref_squeeze %dma_start3A_23 : memref<1x64x4096xf32, #tpu.memory_space<any>> -> memref<64x4096xf32, #tpu.memory_space<any>>
    tpu.enqueue_dma source(%dma_start3A_24 : memref<64x4096xf32, #tpu.memory_space<any>>) target(%dma_start3A_20 : memref<64x4096xf32, #tpu.memory_space<vmem>>) target_semaphore(%dma_start3A_16 : memref<!tpu.dma_semaphore, #tpu.memory_space<semaphore_mem>>)
    %dma_start3A_25 = arith.constant 2 : i32
    %dma_start3A_26 = arith.constant 2 : i32
    %dma_start3A_27 = arith.constant 2 : i32
    %dma_start3A_28 = tpu.memref_slice %arg8[%dma_start3A_27] : memref<4x!tpu.dma_semaphore, #tpu.memory_space<semaphore_mem>> -> memref<1x!tpu.dma_semaphore, #tpu.memory_space<semaphore_mem>>
    %dma_start3A_29 = tpu.memref_squeeze %dma_start3A_28 : memref<1x!tpu.dma_semaphore, #tpu.memory_space<semaphore_mem>> -> memref<!tpu.dma_semaphore, #tpu.memory_space<semaphore_mem>>
    %dma_start3A_30 = arith.constant 0 : i32
    %dma_start3A_31 = arith.constant 0 : i32
    %dma_start3A_32 = tpu.memref_slice %arg6[%dma_start3A_26, %dma_start3A_30, %dma_start3A_31] : memref<4x64x4096xf32, #tpu.memory_space<vmem>> -> memref<1x64x4096xf32, #tpu.memory_space<vmem>>
    %dma_start3A_33 = tpu.memref_squeeze %dma_start3A_32 : memref<1x64x4096xf32, #tpu.memory_space<vmem>> -> memref<64x4096xf32, #tpu.memory_space<vmem>>
    %dma_start3A_34 = arith.constant 1984 : i32
    %dma_start3A_35 = arith.constant 0 : i32
    %dma_start3A_36 = tpu.memref_slice %arg1[%dma_start3A_25, %dma_start3A_34, %dma_start3A_35] : memref<4x2048x4096xf32, #tpu.memory_space<any>> -> memref<1x64x4096xf32, #tpu.memory_space<any>>
    %dma_start3A_37 = tpu.memref_squeeze %dma_start3A_36 : memref<1x64x4096xf32, #tpu.memory_space<any>> -> memref<64x4096xf32, #tpu.memory_space<any>>
    tpu.enqueue_dma source(%dma_start3A_37 : memref<64x4096xf32, #tpu.memory_space<any>>) target(%dma_start3A_33 : memref<64x4096xf32, #tpu.memory_space<vmem>>) target_semaphore(%dma_start3A_29 : memref<!tpu.dma_semaphore, #tpu.memory_space<semaphore_mem>>)
    %dma_start3A_38 = arith.constant 3 : i32
    %dma_start3A_39 = arith.constant 3 : i32
    %dma_start3A_40 = arith.constant 3 : i32
    %dma_start3A_41 = tpu.memref_slice %arg8[%dma_start3A_40] : memref<4x!tpu.dma_semaphore, #tpu.memory_space<semaphore_mem>> -> memref<1x!tpu.dma_semaphore, #tpu.memory_space<semaphore_mem>>
    %dma_start3A_42 = tpu.memref_squeeze %dma_start3A_41 : memref<1x!tpu.dma_semaphore, #tpu.memory_space<semaphore_mem>> -> memref<!tpu.dma_semaphore, #tpu.memory_space<semaphore_mem>>
    %dma_start3A_43 = arith.constant 0 : i32
    %dma_start3A_44 = arith.constant 0 : i32
    %dma_start3A_45 = tpu.memref_slice %arg6[%dma_start3A_39, %dma_start3A_43, %dma_start3A_44] : memref<4x64x4096xf32, #tpu.memory_space<vmem>> -> memref<1x64x4096xf32, #tpu.memory_space<vmem>>
    %dma_start3A_46 = tpu.memref_squeeze %dma_start3A_45 : memref<1x64x4096xf32, #tpu.memory_space<vmem>> -> memref<64x4096xf32, #tpu.memory_space<vmem>>
    %dma_start3A_47 = arith.constant 1984 : i32
    %dma_start3A_48 = arith.constant 0 : i32
    %dma_start3A_49 = tpu.memref_slice %arg1[%dma_start3A_38, %dma_start3A_47, %dma_start3A_48] : memref<4x2048x4096xf32, #tpu.memory_space<any>> -> memref<1x64x4096xf32, #tpu.memory_space<any>>
    %dma_start3A_50 = tpu.memref_squeeze %dma_start3A_49 : memref<1x64x4096xf32, #tpu.memory_space<any>> -> memref<64x4096xf32, #tpu.memory_space<any>>
    tpu.enqueue_dma source(%dma_start3A_50 : memref<64x4096xf32, #tpu.memory_space<any>>) target(%dma_start3A_46 : memref<64x4096xf32, #tpu.memory_space<vmem>>) target_semaphore(%dma_start3A_42 : memref<!tpu.dma_semaphore, #tpu.memory_space<semaphore_mem>>)
    tpu.enqueue_dma source(%arg2 : memref<64x4096xf32, #tpu.memory_space<any>>) target(%arg7 : memref<64x4096xf32, #tpu.memory_space<vmem>>) target_semaphore(%arg9 : memref<!tpu.dma_semaphore, #tpu.memory_space<semaphore_mem>>)
    %dma_wait3A = arith.constant 0 : i32
    %dma_wait3A_51 = arith.constant 0 : i32
    %dma_wait3A_52 = arith.constant 0 : i32
    %dma_wait3A_53 = tpu.memref_slice %arg8[%dma_wait3A_52] : memref<4x!tpu.dma_semaphore, #tpu.memory_space<semaphore_mem>> -> memref<1x!tpu.dma_semaphore, #tpu.memory_space<semaphore_mem>>
    %dma_wait3A_54 = tpu.memref_squeeze %dma_wait3A_53 : memref<1x!tpu.dma_semaphore, #tpu.memory_space<semaphore_mem>> -> memref<!tpu.dma_semaphore, #tpu.memory_space<semaphore_mem>>
    %dma_wait3A_55 = arith.constant 0 : i32
    %dma_wait3A_56 = arith.constant 0 : i32
    %dma_wait3A_57 = tpu.memref_slice %arg6[%dma_wait3A_51, %dma_wait3A_55, %dma_wait3A_56] : memref<4x64x4096xf32, #tpu.memory_space<vmem>> -> memref<1x64x4096xf32, #tpu.memory_space<vmem>>
    %dma_wait3A_58 = tpu.memref_squeeze %dma_wait3A_57 : memref<1x64x4096xf32, #tpu.memory_space<vmem>> -> memref<64x4096xf32, #tpu.memory_space<vmem>>
    %dma_wait3A_59 = arith.constant 1984 : i32
    %dma_wait3A_60 = arith.constant 0 : i32
    %dma_wait3A_61 = tpu.memref_slice %arg1[%dma_wait3A, %dma_wait3A_59, %dma_wait3A_60] : memref<4x2048x4096xf32, #tpu.memory_space<any>> -> memref<1x64x4096xf32, #tpu.memory_space<any>>
    %dma_wait3A_62 = tpu.memref_squeeze %dma_wait3A_61 : memref<1x64x4096xf32, #tpu.memory_space<any>> -> memref<64x4096xf32, #tpu.memory_space<any>>
    tpu.wait_dma2 semaphore(%dma_wait3A_54 : memref<!tpu.dma_semaphore, #tpu.memory_space<semaphore_mem>>) src(%dma_wait3A_62 : memref<64x4096xf32, #tpu.memory_space<any>>) dst(%dma_wait3A_58 : memref<64x4096xf32, #tpu.memory_space<vmem>>)
    %dma_start3A_63 = arith.constant 0 : i32
    %dma_start3A_64 = arith.constant 0 : i32
    %dma_start3A_65 = arith.constant 0 : i32
    %dma_start3A_66 = tpu.memref_slice %arg10[%dma_start3A_65] : memref<4x!tpu.dma_semaphore, #tpu.memory_space<semaphore_mem>> -> memref<1x!tpu.dma_semaphore, #tpu.memory_space<semaphore_mem>>
    %dma_start3A_67 = tpu.memref_squeeze %dma_start3A_66 : memref<1x!tpu.dma_semaphore, #tpu.memory_space<semaphore_mem>> -> memref<!tpu.dma_semaphore, #tpu.memory_space<semaphore_mem>>
    %dma_start3A_68 = arith.constant 0 : i32
    %dma_start3A_69 = arith.constant 0 : i32
    %dma_start3A_70 = tpu.memref_slice %arg4[%dma_start3A_64, %dma_start3A_68, %dma_start3A_69] : memref<4x64x4096xf32, #tpu.memory_space<any>> -> memref<1x64x4096xf32, #tpu.memory_space<any>>
    %dma_start3A_71 = tpu.memref_squeeze %dma_start3A_70 : memref<1x64x4096xf32, #tpu.memory_space<any>> -> memref<64x4096xf32, #tpu.memory_space<any>>
    %dma_start3A_72 = arith.constant 0 : i32
    %dma_start3A_73 = arith.constant 0 : i32
    %dma_start3A_74 = tpu.memref_slice %arg6[%dma_start3A_63, %dma_start3A_72, %dma_start3A_73] : memref<4x64x4096xf32, #tpu.memory_space<vmem>> -> memref<1x64x4096xf32, #tpu.memory_space<vmem>>
    %dma_start3A_75 = tpu.memref_squeeze %dma_start3A_74 : memref<1x64x4096xf32, #tpu.memory_space<vmem>> -> memref<64x4096xf32, #tpu.memory_space<vmem>>
    tpu.enqueue_dma source(%dma_start3A_75 : memref<64x4096xf32, #tpu.memory_space<vmem>>) target(%dma_start3A_71 : memref<64x4096xf32, #tpu.memory_space<any>>) target_semaphore(%dma_start3A_67 : memref<!tpu.dma_semaphore, #tpu.memory_space<semaphore_mem>>)
    %dma_wait3A_76 = arith.constant 1 : i32
    %dma_wait3A_77 = arith.constant 1 : i32
    %dma_wait3A_78 = arith.constant 1 : i32
    %dma_wait3A_79 = tpu.memref_slice %arg8[%dma_wait3A_78] : memref<4x!tpu.dma_semaphore, #tpu.memory_space<semaphore_mem>> -> memref<1x!tpu.dma_semaphore, #tpu.memory_space<semaphore_mem>>
    %dma_wait3A_80 = tpu.memref_squeeze %dma_wait3A_79 : memref<1x!tpu.dma_semaphore, #tpu.memory_space<semaphore_mem>> -> memref<!tpu.dma_semaphore, #tpu.memory_space<semaphore_mem>>
    %dma_wait3A_81 = arith.constant 0 : i32
    %dma_wait3A_82 = arith.constant 0 : i32
    %dma_wait3A_83 = tpu.memref_slice %arg6[%dma_wait3A_77, %dma_wait3A_81, %dma_wait3A_82] : memref<4x64x4096xf32, #tpu.memory_space<vmem>> -> memref<1x64x4096xf32, #tpu.memory_space<vmem>>
    %dma_wait3A_84 = tpu.memref_squeeze %dma_wait3A_83 : memref<1x64x4096xf32, #tpu.memory_space<vmem>> -> memref<64x4096xf32, #tpu.memory_space<vmem>>
    %dma_wait3A_85 = arith.constant 1984 : i32
    %dma_wait3A_86 = arith.constant 0 : i32
    %dma_wait3A_87 = tpu.memref_slice %arg1[%dma_wait3A_76, %dma_wait3A_85, %dma_wait3A_86] : memref<4x2048x4096xf32, #tpu.memory_space<any>> -> memref<1x64x4096xf32, #tpu.memory_space<any>>
    %dma_wait3A_88 = tpu.memref_squeeze %dma_wait3A_87 : memref<1x64x4096xf32, #tpu.memory_space<any>> -> memref<64x4096xf32, #tpu.memory_space<any>>
    tpu.wait_dma2 semaphore(%dma_wait3A_80 : memref<!tpu.dma_semaphore, #tpu.memory_space<semaphore_mem>>) src(%dma_wait3A_88 : memref<64x4096xf32, #tpu.memory_space<any>>) dst(%dma_wait3A_84 : memref<64x4096xf32, #tpu.memory_space<vmem>>)
    %dma_start3A_89 = arith.constant 1 : i32
    %dma_start3A_90 = arith.constant 1 : i32
    %dma_start3A_91 = arith.constant 1 : i32
    %dma_start3A_92 = tpu.memref_slice %arg10[%dma_start3A_91] : memref<4x!tpu.dma_semaphore, #tpu.memory_space<semaphore_mem>> -> memref<1x!tpu.dma_semaphore, #tpu.memory_space<semaphore_mem>>
    %dma_start3A_93 = tpu.memref_squeeze %dma_start3A_92 : memref<1x!tpu.dma_semaphore, #tpu.memory_space<semaphore_mem>> -> memref<!tpu.dma_semaphore, #tpu.memory_space<semaphore_mem>>
    %dma_start3A_94 = arith.constant 0 : i32
    %dma_start3A_95 = arith.constant 0 : i32
    %dma_start3A_96 = tpu.memref_slice %arg4[%dma_start3A_90, %dma_start3A_94, %dma_start3A_95] : memref<4x64x4096xf32, #tpu.memory_space<any>> -> memref<1x64x4096xf32, #tpu.memory_space<any>>
    %dma_start3A_97 = tpu.memref_squeeze %dma_start3A_96 : memref<1x64x4096xf32, #tpu.memory_space<any>> -> memref<64x4096xf32, #tpu.memory_space<any>>
    %dma_start3A_98 = arith.constant 0 : i32
    %dma_start3A_99 = arith.constant 0 : i32
    %dma_start3A_100 = tpu.memref_slice %arg6[%dma_start3A_89, %dma_start3A_98, %dma_start3A_99] : memref<4x64x4096xf32, #tpu.memory_space<vmem>> -> memref<1x64x4096xf32, #tpu.memory_space<vmem>>
    %dma_start3A_101 = tpu.memref_squeeze %dma_start3A_100 : memref<1x64x4096xf32, #tpu.memory_space<vmem>> -> memref<64x4096xf32, #tpu.memory_space<vmem>>
    tpu.enqueue_dma source(%dma_start3A_101 : memref<64x4096xf32, #tpu.memory_space<vmem>>) target(%dma_start3A_97 : memref<64x4096xf32, #tpu.memory_space<any>>) target_semaphore(%dma_start3A_93 : memref<!tpu.dma_semaphore, #tpu.memory_space<semaphore_mem>>)
    %dma_wait3A_102 = arith.constant 2 : i32
    %dma_wait3A_103 = arith.constant 2 : i32
    %dma_wait3A_104 = arith.constant 2 : i32
    %dma_wait3A_105 = tpu.memref_slice %arg8[%dma_wait3A_104] : memref<4x!tpu.dma_semaphore, #tpu.memory_space<semaphore_mem>> -> memref<1x!tpu.dma_semaphore, #tpu.memory_space<semaphore_mem>>
    %dma_wait3A_106 = tpu.memref_squeeze %dma_wait3A_105 : memref<1x!tpu.dma_semaphore, #tpu.memory_space<semaphore_mem>> -> memref<!tpu.dma_semaphore, #tpu.memory_space<semaphore_mem>>
    %dma_wait3A_107 = arith.constant 0 : i32
    %dma_wait3A_108 = arith.constant 0 : i32
    %dma_wait3A_109 = tpu.memref_slice %arg6[%dma_wait3A_103, %dma_wait3A_107, %dma_wait3A_108] : memref<4x64x4096xf32, #tpu.memory_space<vmem>> -> memref<1x64x4096xf32, #tpu.memory_space<vmem>>
    %dma_wait3A_110 = tpu.memref_squeeze %dma_wait3A_109 : memref<1x64x4096xf32, #tpu.memory_space<vmem>> -> memref<64x4096xf32, #tpu.memory_space<vmem>>
    %dma_wait3A_111 = arith.constant 1984 : i32
    %dma_wait3A_112 = arith.constant 0 : i32
    %dma_wait3A_113 = tpu.memref_slice %arg1[%dma_wait3A_102, %dma_wait3A_111, %dma_wait3A_112] : memref<4x2048x4096xf32, #tpu.memory_space<any>> -> memref<1x64x4096xf32, #tpu.memory_space<any>>
    %dma_wait3A_114 = tpu.memref_squeeze %dma_wait3A_113 : memref<1x64x4096xf32, #tpu.memory_space<any>> -> memref<64x4096xf32, #tpu.memory_space<any>>
    tpu.wait_dma2 semaphore(%dma_wait3A_106 : memref<!tpu.dma_semaphore, #tpu.memory_space<semaphore_mem>>) src(%dma_wait3A_114 : memref<64x4096xf32, #tpu.memory_space<any>>) dst(%dma_wait3A_110 : memref<64x4096xf32, #tpu.memory_space<vmem>>)
    %dma_start3A_115 = arith.constant 2 : i32
    %dma_start3A_116 = arith.constant 2 : i32
    %dma_start3A_117 = arith.constant 2 : i32
    %dma_start3A_118 = tpu.memref_slice %arg10[%dma_start3A_117] : memref<4x!tpu.dma_semaphore, #tpu.memory_space<semaphore_mem>> -> memref<1x!tpu.dma_semaphore, #tpu.memory_space<semaphore_mem>>
    %dma_start3A_119 = tpu.memref_squeeze %dma_start3A_118 : memref<1x!tpu.dma_semaphore, #tpu.memory_space<semaphore_mem>> -> memref<!tpu.dma_semaphore, #tpu.memory_space<semaphore_mem>>
    %dma_start3A_120 = arith.constant 0 : i32
    %dma_start3A_121 = arith.constant 0 : i32
    %dma_start3A_122 = tpu.memref_slice %arg4[%dma_start3A_116, %dma_start3A_120, %dma_start3A_121] : memref<4x64x4096xf32, #tpu.memory_space<any>> -> memref<1x64x4096xf32, #tpu.memory_space<any>>
    %dma_start3A_123 = tpu.memref_squeeze %dma_start3A_122 : memref<1x64x4096xf32, #tpu.memory_space<any>> -> memref<64x4096xf32, #tpu.memory_space<any>>
    %dma_start3A_124 = arith.constant 0 : i32
    %dma_start3A_125 = arith.constant 0 : i32
    %dma_start3A_126 = tpu.memref_slice %arg6[%dma_start3A_115, %dma_start3A_124, %dma_start3A_125] : memref<4x64x4096xf32, #tpu.memory_space<vmem>> -> memref<1x64x4096xf32, #tpu.memory_space<vmem>>
    %dma_start3A_127 = tpu.memref_squeeze %dma_start3A_126 : memref<1x64x4096xf32, #tpu.memory_space<vmem>> -> memref<64x4096xf32, #tpu.memory_space<vmem>>
    tpu.enqueue_dma source(%dma_start3A_127 : memref<64x4096xf32, #tpu.memory_space<vmem>>) target(%dma_start3A_123 : memref<64x4096xf32, #tpu.memory_space<any>>) target_semaphore(%dma_start3A_119 : memref<!tpu.dma_semaphore, #tpu.memory_space<semaphore_mem>>)
    %dma_wait3A_128 = arith.constant 3 : i32
    %dma_wait3A_129 = arith.constant 3 : i32
    %dma_wait3A_130 = arith.constant 3 : i32
    %dma_wait3A_131 = tpu.memref_slice %arg8[%dma_wait3A_130] : memref<4x!tpu.dma_semaphore, #tpu.memory_space<semaphore_mem>> -> memref<1x!tpu.dma_semaphore, #tpu.memory_space<semaphore_mem>>
    %dma_wait3A_132 = tpu.memref_squeeze %dma_wait3A_131 : memref<1x!tpu.dma_semaphore, #tpu.memory_space<semaphore_mem>> -> memref<!tpu.dma_semaphore, #tpu.memory_space<semaphore_mem>>
    %dma_wait3A_133 = arith.constant 0 : i32
    %dma_wait3A_134 = arith.constant 0 : i32
    %dma_wait3A_135 = tpu.memref_slice %arg6[%dma_wait3A_129, %dma_wait3A_133, %dma_wait3A_134] : memref<4x64x4096xf32, #tpu.memory_space<vmem>> -> memref<1x64x4096xf32, #tpu.memory_space<vmem>>
    %dma_wait3A_136 = tpu.memref_squeeze %dma_wait3A_135 : memref<1x64x4096xf32, #tpu.memory_space<vmem>> -> memref<64x4096xf32, #tpu.memory_space<vmem>>
    %dma_wait3A_137 = arith.constant 1984 : i32
    %dma_wait3A_138 = arith.constant 0 : i32
    %dma_wait3A_139 = tpu.memref_slice %arg1[%dma_wait3A_128, %dma_wait3A_137, %dma_wait3A_138] : memref<4x2048x4096xf32, #tpu.memory_space<any>> -> memref<1x64x4096xf32, #tpu.memory_space<any>>
    %dma_wait3A_140 = tpu.memref_squeeze %dma_wait3A_139 : memref<1x64x4096xf32, #tpu.memory_space<any>> -> memref<64x4096xf32, #tpu.memory_space<any>>
    tpu.wait_dma2 semaphore(%dma_wait3A_132 : memref<!tpu.dma_semaphore, #tpu.memory_space<semaphore_mem>>) src(%dma_wait3A_140 : memref<64x4096xf32, #tpu.memory_space<any>>) dst(%dma_wait3A_136 : memref<64x4096xf32, #tpu.memory_space<vmem>>)
    %dma_start3A_141 = arith.constant 3 : i32
    %dma_start3A_142 = arith.constant 3 : i32
    %dma_start3A_143 = arith.constant 3 : i32
    %dma_start3A_144 = tpu.memref_slice %arg10[%dma_start3A_143] : memref<4x!tpu.dma_semaphore, #tpu.memory_space<semaphore_mem>> -> memref<1x!tpu.dma_semaphore, #tpu.memory_space<semaphore_mem>>
    %dma_start3A_145 = tpu.memref_squeeze %dma_start3A_144 : memref<1x!tpu.dma_semaphore, #tpu.memory_space<semaphore_mem>> -> memref<!tpu.dma_semaphore, #tpu.memory_space<semaphore_mem>>
    %dma_start3A_146 = arith.constant 0 : i32
    %dma_start3A_147 = arith.constant 0 : i32
    %dma_start3A_148 = tpu.memref_slice %arg4[%dma_start3A_142, %dma_start3A_146, %dma_start3A_147] : memref<4x64x4096xf32, #tpu.memory_space<any>> -> memref<1x64x4096xf32, #tpu.memory_space<any>>
    %dma_start3A_149 = tpu.memref_squeeze %dma_start3A_148 : memref<1x64x4096xf32, #tpu.memory_space<any>> -> memref<64x4096xf32, #tpu.memory_space<any>>
    %dma_start3A_150 = arith.constant 0 : i32
    %dma_start3A_151 = arith.constant 0 : i32
    %dma_start3A_152 = tpu.memref_slice %arg6[%dma_start3A_141, %dma_start3A_150, %dma_start3A_151] : memref<4x64x4096xf32, #tpu.memory_space<vmem>> -> memref<1x64x4096xf32, #tpu.memory_space<vmem>>
    %dma_start3A_153 = tpu.memref_squeeze %dma_start3A_152 : memref<1x64x4096xf32, #tpu.memory_space<vmem>> -> memref<64x4096xf32, #tpu.memory_space<vmem>>
    tpu.enqueue_dma source(%dma_start3A_153 : memref<64x4096xf32, #tpu.memory_space<vmem>>) target(%dma_start3A_149 : memref<64x4096xf32, #tpu.memory_space<any>>) target_semaphore(%dma_start3A_145 : memref<!tpu.dma_semaphore, #tpu.memory_space<semaphore_mem>>)
    %get3A = arith.constant 0 : index
    %get3A_154 = arith.constant 0 : index
    %get3A_155 = arith.constant 0 : index
    %get3A_156 = vector.load %arg6[%get3A, %get3A_154, %get3A_155] : memref<4x64x4096xf32, #tpu.memory_space<vmem>>, vector<4x64x4096xf32>
    %reduce_sum3A = arith.constant dense<0.000000e+00> : vector<4x4096xf32>
    %reduce_sum3A_157 = vector.multi_reduction <add>, %get3A_156, %reduce_sum3A [1] : vector<4x64x4096xf32> to vector<4x4096xf32>
    %div3A = arith.constant 6.400000e+01 : f32
    %div3A_158 = vector.broadcast %div3A : f32 to vector<4x4096xf32>
    %div3A_159 = arith.divf %reduce_sum3A_157, %div3A_158 : vector<4x4096xf32>
    tpu.wait_dma2 semaphore(%arg9 : memref<!tpu.dma_semaphore, #tpu.memory_space<semaphore_mem>>) src(%arg2 : memref<64x4096xf32, #tpu.memory_space<any>>) dst(%arg7 : memref<64x4096xf32, #tpu.memory_space<vmem>>)
    %get3A_160 = arith.constant 0 : index
    %get3A_161 = arith.constant 0 : index
    %get3A_162 = vector.load %arg7[%get3A_160, %get3A_161] : memref<64x4096xf32, #tpu.memory_space<vmem>>, vector<64x4096xf32>
    %dot_general3A = arith.constant dense<0.000000e+00> : vector<4x64xf32>
    %dot_general3A_163 = tpu.matmul %div3A_159, %get3A_162, %dot_general3A {dimension_numbers = #tpu.dot_dimension_numbers<[1], [1], [0], [0], [0, 0, 1, 0], [], []>, transpose_lhs_hint = false} : vector<4x4096xf32>, vector<64x4096xf32>, vector<4x64xf32> -> vector<4x64xf32>
    %get3A_164 = arith.constant 0 : index
    %get3A_165 = arith.constant 0 : index
    %get3A_166 = vector.load %arg3[%get3A_164, %get3A_165] : memref<1x64xf32, #tpu.memory_space<vmem>>, vector<1x64xf32>
    %add3A = vector.broadcast %get3A_166 : vector<1x64xf32> to vector<4x64xf32>
    %add3A_167 = arith.addf %dot_general3A_163, %add3A : vector<4x64xf32>
    %swap3A = arith.constant 0 : index
    %swap3A_168 = arith.constant 0 : index
    %swap3A_169 = vector.load %arg5[%swap3A, %swap3A_168] : memref<4x64xf32, #tpu.memory_space<vmem>>, vector<4x64xf32>
    tpu.vector_store %arg5[%swap3A, %swap3A_168], %add3A_167 {strides = array<i32>} : memref<4x64xf32, #tpu.memory_space<vmem>>, vector<4x64xf32>,
    %dma_wait3A_170 = arith.constant 0 : i32
    %dma_wait3A_171 = arith.constant 0 : i32
    %dma_wait3A_172 = arith.constant 0 : i32
    %dma_wait3A_173 = tpu.memref_slice %arg10[%dma_wait3A_172] : memref<4x!tpu.dma_semaphore, #tpu.memory_space<semaphore_mem>> -> memref<1x!tpu.dma_semaphore, #tpu.memory_space<semaphore_mem>>
    %dma_wait3A_174 = tpu.memref_squeeze %dma_wait3A_173 : memref<1x!tpu.dma_semaphore, #tpu.memory_space<semaphore_mem>> -> memref<!tpu.dma_semaphore, #tpu.memory_space<semaphore_mem>>
    %dma_wait3A_175 = arith.constant 0 : i32
    %dma_wait3A_176 = arith.constant 0 : i32
    %dma_wait3A_177 = tpu.memref_slice %arg4[%dma_wait3A_171, %dma_wait3A_175, %dma_wait3A_176] : memref<4x64x4096xf32, #tpu.memory_space<any>> -> memref<1x64x4096xf32, #tpu.memory_space<any>>
    %dma_wait3A_178 = tpu.memref_squeeze %dma_wait3A_177 : memref<1x64x4096xf32, #tpu.memory_space<any>> -> memref<64x4096xf32, #tpu.memory_space<any>>
    %dma_wait3A_179 = arith.constant 0 : i32
    %dma_wait3A_180 = arith.constant 0 : i32
    %dma_wait3A_181 = tpu.memref_slice %arg6[%dma_wait3A_170, %dma_wait3A_179, %dma_wait3A_180] : memref<4x64x4096xf32, #tpu.memory_space<vmem>> -> memref<1x64x4096xf32, #tpu.memory_space<vmem>>
    %dma_wait3A_182 = tpu.memref_squeeze %dma_wait3A_181 : memref<1x64x4096xf32, #tpu.memory_space<vmem>> -> memref<64x4096xf32, #tpu.memory_space<vmem>>
    tpu.wait_dma2 semaphore(%dma_wait3A_174 : memref<!tpu.dma_semaphore, #tpu.memory_space<semaphore_mem>>) src(%dma_wait3A_182 : memref<64x4096xf32, #tpu.memory_space<vmem>>) dst(%dma_wait3A_178 : memref<64x4096xf32, #tpu.memory_space<any>>)
    %dma_wait3A_183 = arith.constant 1 : i32
    %dma_wait3A_184 = arith.constant 1 : i32
    %dma_wait3A_185 = arith.constant 1 : i32
    %dma_wait3A_186 = tpu.memref_slice %arg10[%dma_wait3A_185] : memref<4x!tpu.dma_semaphore, #tpu.memory_space<semaphore_mem>> -> memref<1x!tpu.dma_semaphore, #tpu.memory_space<semaphore_mem>>
    %dma_wait3A_187 = tpu.memref_squeeze %dma_wait3A_186 : memref<1x!tpu.dma_semaphore, #tpu.memory_space<semaphore_mem>> -> memref<!tpu.dma_semaphore, #tpu.memory_space<semaphore_mem>>
    %dma_wait3A_188 = arith.constant 0 : i32
    %dma_wait3A_189 = arith.constant 0 : i32
    %dma_wait3A_190 = tpu.memref_slice %arg4[%dma_wait3A_184, %dma_wait3A_188, %dma_wait3A_189] : memref<4x64x4096xf32, #tpu.memory_space<any>> -> memref<1x64x4096xf32, #tpu.memory_space<any>>
    %dma_wait3A_191 = tpu.memref_squeeze %dma_wait3A_190 : memref<1x64x4096xf32, #tpu.memory_space<any>> -> memref<64x4096xf32, #tpu.memory_space<any>>
    %dma_wait3A_192 = arith.constant 0 : i32
    %dma_wait3A_193 = arith.constant 0 : i32
    %dma_wait3A_194 = tpu.memref_slice %arg6[%dma_wait3A_183, %dma_wait3A_192, %dma_wait3A_193] : memref<4x64x4096xf32, #tpu.memory_space<vmem>> -> memref<1x64x4096xf32, #tpu.memory_space<vmem>>
    %dma_wait3A_195 = tpu.memref_squeeze %dma_wait3A_194 : memref<1x64x4096xf32, #tpu.memory_space<vmem>> -> memref<64x4096xf32, #tpu.memory_space<vmem>>
    tpu.wait_dma2 semaphore(%dma_wait3A_187 : memref<!tpu.dma_semaphore, #tpu.memory_space<semaphore_mem>>) src(%dma_wait3A_195 : memref<64x4096xf32, #tpu.memory_space<vmem>>) dst(%dma_wait3A_191 : memref<64x4096xf32, #tpu.memory_space<any>>)
    %dma_wait3A_196 = arith.constant 2 : i32
    %dma_wait3A_197 = arith.constant 2 : i32
    %dma_wait3A_198 = arith.constant 2 : i32
    %dma_wait3A_199 = tpu.memref_slice %arg10[%dma_wait3A_198] : memref<4x!tpu.dma_semaphore, #tpu.memory_space<semaphore_mem>> -> memref<1x!tpu.dma_semaphore, #tpu.memory_space<semaphore_mem>>
    %dma_wait3A_200 = tpu.memref_squeeze %dma_wait3A_199 : memref<1x!tpu.dma_semaphore, #tpu.memory_space<semaphore_mem>> -> memref<!tpu.dma_semaphore, #tpu.memory_space<semaphore_mem>>
    %dma_wait3A_201 = arith.constant 0 : i32
    %dma_wait3A_202 = arith.constant 0 : i32
    %dma_wait3A_203 = tpu.memref_slice %arg4[%dma_wait3A_197, %dma_wait3A_201, %dma_wait3A_202] : memref<4x64x4096xf32, #tpu.memory_space<any>> -> memref<1x64x4096xf32, #tpu.memory_space<any>>
    %dma_wait3A_204 = tpu.memref_squeeze %dma_wait3A_203 : memref<1x64x4096xf32, #tpu.memory_space<any>> -> memref<64x4096xf32, #tpu.memory_space<any>>
    %dma_wait3A_205 = arith.constant 0 : i32
    %dma_wait3A_206 = arith.constant 0 : i32
    %dma_wait3A_207 = tpu.memref_slice %arg6[%dma_wait3A_196, %dma_wait3A_205, %dma_wait3A_206] : memref<4x64x4096xf32, #tpu.memory_space<vmem>> -> memref<1x64x4096xf32, #tpu.memory_space<vmem>>
    %dma_wait3A_208 = tpu.memref_squeeze %dma_wait3A_207 : memref<1x64x4096xf32, #tpu.memory_space<vmem>> -> memref<64x4096xf32, #tpu.memory_space<vmem>>
    tpu.wait_dma2 semaphore(%dma_wait3A_200 : memref<!tpu.dma_semaphore, #tpu.memory_space<semaphore_mem>>) src(%dma_wait3A_208 : memref<64x4096xf32, #tpu.memory_space<vmem>>) dst(%dma_wait3A_204 : memref<64x4096xf32, #tpu.memory_space<any>>)
    %dma_wait3A_209 = arith.constant 3 : i32
    %dma_wait3A_210 = arith.constant 3 : i32
    %dma_wait3A_211 = arith.constant 3 : i32
    %dma_wait3A_212 = tpu.memref_slice %arg10[%dma_wait3A_211] : memref<4x!tpu.dma_semaphore, #tpu.memory_space<semaphore_mem>> -> memref<1x!tpu.dma_semaphore, #tpu.memory_space<semaphore_mem>>
    %dma_wait3A_213 = tpu.memref_squeeze %dma_wait3A_212 : memref<1x!tpu.dma_semaphore, #tpu.memory_space<semaphore_mem>> -> memref<!tpu.dma_semaphore, #tpu.memory_space<semaphore_mem>>
    %dma_wait3A_214 = arith.constant 0 : i32
    %dma_wait3A_215 = arith.constant 0 : i32
    %dma_wait3A_216 = tpu.memref_slice %arg4[%dma_wait3A_210, %dma_wait3A_214, %dma_wait3A_215] : memref<4x64x4096xf32, #tpu.memory_space<any>> -> memref<1x64x4096xf32, #tpu.memory_space<any>>
    %dma_wait3A_217 = tpu.memref_squeeze %dma_wait3A_216 : memref<1x64x4096xf32, #tpu.memory_space<any>> -> memref<64x4096xf32, #tpu.memory_space<any>>
    %dma_wait3A_218 = arith.constant 0 : i32
    %dma_wait3A_219 = arith.constant 0 : i32
    %dma_wait3A_220 = tpu.memref_slice %arg6[%dma_wait3A_209, %dma_wait3A_218, %dma_wait3A_219] : memref<4x64x4096xf32, #tpu.memory_space<vmem>> -> memref<1x64x4096xf32, #tpu.memory_space<vmem>>
    %dma_wait3A_221 = tpu.memref_squeeze %dma_wait3A_220 : memref<1x64x4096xf32, #tpu.memory_space<vmem>> -> memref<64x4096xf32, #tpu.memory_space<vmem>>
    tpu.wait_dma2 semaphore(%dma_wait3A_213 : memref<!tpu.dma_semaphore, #tpu.memory_space<semaphore_mem>>) src(%dma_wait3A_221 : memref<64x4096xf32, #tpu.memory_space<vmem>>) dst(%dma_wait3A_217 : memref<64x4096xf32, #tpu.memory_space<any>>)
    return
  }
  func.func @transform_2(%arg0: i32) -> (i32, i32) {
    %c0_i32 = arith.constant 0 : i32
    %c0_i32_0 = arith.constant 0 : i32
    %c0_i32_1 = arith.constant 0 : i32
    return %c0_i32, %c0_i32_0 : i32, i32
  }
  func.func @transform_4(%arg0: i32) -> (i32, i32) {
    %c0_i32 = arith.constant 0 : i32
    %c0_i32_0 = arith.constant 0 : i32
    %c0_i32_1 = arith.constant 0 : i32
    return %c0_i32, %c0_i32_0 : i32, i32
  }
}

</mosaic_0001>

<sc_bundles>
// kernel: kernel.4.cloned.1.call-start
scs
__scs_entry_jumppad:
0x0: {  	(pc) =	sbr.rel $0x88, $3  }
0x1: {  	(tag) =	ssettag $0x0;
	lr =	simm.s32 $0x1  }
0x2: {  	[smem:$0x3F9E] =	sst lr;
	_ =	strace $0xD0000000  }
0x3: {  	_ = 	snop  }
0x4: {  	_ = 	snop  }
0x5: {  	_ = 	snop  }
0x6: {  	_ = 	snop  }
0x7: {  	_ = 	snop  }
__scs_overlays_trampoline_lowered:
0x8: {  	[smem:$0x3FAD] =	sst s0  }
0x9: {  	[smem:$0x3FAE] =	sst s1  }
0xa: {  	[smem:$0x3FAF] =	sst s2  }
0xb: {  	[smem:$0x3FB0] =	sst s3  }
0xc: {  	[smem:$0x3FB1] =	sst s4  }
0xd: {  	[smem:$0x3FB2] =	sst s5  }
0xe: {  	[smem:$0x3FB3] =	sst s6  }
0xf: {  	[smem:$0x3FB4] =	sst s7  }
0x10: {  	[smem:$0x3FB5] =	sst s8  }
0x11: {  	[smem:$0x3FB6] =	sst s9;
	s0 =	simm.s32 @!p0 $0x0  }
0x12: {  	s1 =	sld [smem:$0x3F9C];
	s0 =	simm.s32 @p0 $0x1  }
0x13: {  	[smem:$0x3FB7] =	sst s0;
	s0 =	simm.s32 @!p1 $0x0  }
0x14: {  	s2 =	sld [smem:$0x3F9B];
	s0 =	simm.s32 @p1 $0x1  }
0x15: {  	[smem:$0x3FB8] =	sst s0;
	s0 =	simm.s32 @!p2 $0x0  }
0x16: {  	s3 =	sld [smem:$0x3FDB];
	s0 =	simm.s32 @p2 $0x1  }
0x17: {  	s4 =	simm.s32 $0x1BF5;
	[smem:$0x3FBA] =	sst s0  }
0x18: {  	s0 =	sld [smem:$0x3F9D];
	_ =	swait.ge [sflag:s4], $0x0  }
0x19: {  	s7 =	sld [smem:$0x3F9E]  }
0x1a: {  	s8 =	sadd.s32 $0xFFFFE003, lr  }
0x1b: {  	s9 =	sadd.s32 $0xFFFFFEF7, lr;
	s5 =	simm.s32 $0xFFFFFFFF;
	p2 =	slt.u32 s8, $0xFFFFF086  }
0x1c: {  	p1 =	slt.u32 s9, $0xF7A;
	s5 =	simm.s32 @!p2 $0x0  }
0x1d: {  	s5 =	simm.s32 @p1 $0x1;
	p0 =	seq.s32 s7, s2  }
0x1e: {  	s7 =	smul.u32 @!p0 $0xF7A, s2;
	p2 =	seq.s32 @!p0 s5, $0x0  }
0x1f: {  	s9 =	smul.u32 $0xF7A, s1;
	s8 =	simm.s32 @!p0 $0x1BF5;
	p2 =	por !p2, p0  }
0x20: {  	[sflag:s8] =	ssyncset.s32 @!p0 $0xFFFFF086;
	s6 =	sadd.s32 @!p0 s3, s7;
	s7 =	simm.s32 @!p0 $0x108  }
0x21: {  	s3 =	sadd.s32 s3, s9;
	s6 =	sadd.s32 @!p0 $0x88, s6;
	s7 =	simm.s32 @p2 $0x1082  }
0x22: {  	[simem:s7], [sflag:s8] =	dma.local @!p0 [hbm:s6], $0xF7A  }
0x23: {  	s9 =	sor.u32 $0xD0000000, s2;
	s6 =	simm.s32 $0x108;
	_ =	swait.ge @!p0 [sflag:s8], $0x0  }
0x24: {  	s3 =	sadd.s32 $0x88, s3;
	s6 =	simm.s32 @!p1 $0x1082;
	[sflag:s4] =	ssyncset.s32 $0xFFFFF086  }
0x25: {  	[simem:s6], [sflag:s4] =	dma.local [hbm:s3], $0xF7A  }
0x26: {  	[smem:$0x3F9E] =	sst s1;
	(tag) =	ssettag s2;
	_ =	strace s9  }
0x27: {  	s1 =	sld [smem:$0x3FAE]  }
0x28: {  	s2 =	sld [smem:$0x3FAF]  }
0x29: {  	s4 =	sld [smem:$0x3FB1]  }
0x2a: {  	p0 =	seq.s32 s5, $0x0;
	s5 =	sld [smem:$0x3FB2]  }
0x2b: {  	s6 =	sld [smem:$0x3FB3]  }
0x2c: {  	s7 =	sld [smem:$0x3FB4]  }
0x2d: {  	s3 =	simm.s32 $0x108;
	s8 =	sld [smem:$0x3FB5]  }
0x2e: {  	s3 =	simm.s32 @!p0 $0x1082;
	s9 =	sld [smem:$0x3FB6]  }
0x2f: {  	lr =	sadd.s32 s0, s3;
	s0 =	sld [smem:$0x3FAD]  }
0x30: {  	s3 =	sld [smem:$0x3FB0]  }
0x31: {  	[smem:$0x3FB9] =	sst s10  }
0x32: {  	s10 =	sld [smem:$0x3FB7];
	_ =	sdelay $0x3  }
0x33: {  	p0 =	seq.s32 s10, $0x1;
	s10 =	sld [smem:$0x3FB9];
	_ =	sdelay $0x3  }
0x34: {  	[smem:$0x3FB9] =	sst s10  }
0x35: {  	s10 =	sld [smem:$0x3FB8];
	_ =	sdelay $0x3  }
0x36: {  	p1 =	seq.s32 s10, $0x1;
	s10 =	sld [smem:$0x3FB9];
	_ =	sdelay $0x3  }
0x37: {  	[smem:$0x3FB9] =	sst s10  }
0x38: {  	s10 =	sld [smem:$0x3FBA]  }
0x39: {  	_ = 	snop;
	(pc) =	sbr.ind lr, $3  }
0x3a: {  	_ = 	snop  }
0x3b: {  	_ = 	snop  }
0x3c: {  	p2 =	seq.s32 s10, $0x1;
	s10 =	sld [smem:$0x3FB9]  }
0x3d: {  	_ =	shalt  }
0x3e: {  	_ =	shalt  }
0x3f: {  	_ =	shalt  }
0x40: {  	_ =	shalt  }
0x41: {  	_ =	shalt  }
0x42: {  	_ =	shalt  }
0x43: {  	_ =	shalt  }
0x44: {  	_ =	shalt  }
0x45: {  	_ =	shalt  }
0x46: {  	_ =	shalt  }
0x47: {  	_ =	shalt  }
0x48: {  	_ =	shalt  }
0x49: {  	_ =	shalt  }
0x4a: {  	_ =	shalt  }
0x4b: {  	_ =	shalt  }
0x4c: {  	_ =	shalt  }
0x4d: {  	_ =	shalt  }
0x4e: {  	_ =	shalt  }
0x4f: {  	_ =	shalt  }
0x50: {  	_ =	shalt  }
0x51: {  	_ =	shalt  }
0x52: {  	_ =	shalt  }
0x53: {  	_ =	shalt  }
0x54: {  	_ =	shalt  }
0x55: {  	_ =	shalt  }
0x56: {  	_ =	shalt  }
0x57: {  	_ =	shalt  }
0x58: {  	_ =	shalt  }
0x59: {  	_ =	shalt  }
0x5a: {  	_ =	shalt  }
0x5b: {  	_ =	shalt  }
0x5c: {  	_ =	shalt  }
0x5d: {  	_ =	shalt  }
0x5e: {  	_ =	shalt  }
0x5f: {  	_ =	shalt  }
0x60: {  	_ =	shalt  }
0x61: {  	_ =	shalt  }
0x62: {  	_ =	shalt  }
0x63: {  	_ =	shalt  }
0x64: {  	_ =	shalt  }
0x65: {  	_ =	shalt  }
0x66: {  	_ =	shalt  }
0x67: {  	_ =	shalt  }
0x68: {  	_ =	shalt  }
0x69: {  	_ =	shalt  }
0x6a: {  	_ =	shalt  }
0x6b: {  	_ =	shalt  }
0x6c: {  	_ =	shalt  }
0x6d: {  	_ =	shalt  }
0x6e: {  	_ =	shalt  }
0x6f: {  	_ =	shalt  }
0x70: {  	_ =	shalt  }
0x71: {  	_ =	shalt  }
0x72: {  	_ =	shalt  }
0x73: {  	_ =	shalt  }
0x74: {  	_ =	shalt  }
0x75: {  	_ =	shalt  }
0x76: {  	_ =	shalt  }
0x77: {  	_ =	shalt  }
0x78: {  	_ =	shalt  }
0x79: {  	_ =	shalt  }
0x7a: {  	_ =	shalt  }
0x7b: {  	_ =	shalt  }
0x7c: {  	_ =	shalt  }
0x7d: {  	_ =	shalt  }
0x7e: {  	_ =	shalt  }
0x7f: {  	_ =	shalt  }
0x80: {  	_ =	shalt  }
0x81: {  	_ =	shalt  }
0x82: {  	_ =	shalt  }
0x83: {  	_ =	shalt  }
0x84: {  	_ =	shalt  }
0x85: {  	_ =	shalt  }
0x86: {  	_ =	shalt  }
0x87: {  	_ =	shalt  }
.Lfunc_end0:
.L_simem_size_0:
called_computation_lowered:
.L_overlay_start_0:
0x88: {  	s2 =	sld [smem:$0x3FD9]  }
0x89: {  	s3 =	sld [smem:$0x3FFE];
	_ =	sdelay $0x1  }
0x8a: {  	s1 =	srdreg.scid  }
0x8b: {  	s0 =	sand.u32 $0x1, s1  }
0x8c: {  	s14 =	sshll.u32 s0, $0xA;
	s2 =	sadd.s32 s3, s2  }
0x8d: {  	s2 =	sadd.s32 s2, s14  }
0x8e: {  	[smem:$0x3FC5] =	sst s2  }
0x8f: {  	_ = 	snop  }
0x90: {  	s2 =	sld [smem:$0x3FD0];
	_ =	sdelay $0x2  }
0x91: {  	s15 =	simm.s32 $0xA;
	s4 =	simm.s32 $0x10  }
0x92: {  	[smem:s4], [sflag:s15] =	dma.local [hbm:s2], $0x1  }
0x93: {  	_ =	swait.eq [sflag:s15], $0x1  }
0x94: {  	[sflag:s15] =	ssyncset.done $0x0  }
0x95: {  	s16 =	sld [smem:$0x10];
	[sflag:s15] =	ssyncadd.s32 $0xFFFFFFFF  }
0x96: {  	s17 =	sld [smem:$0x11];
	(tm) =	ssettm $0x1  }
0x97: {  	s18 =	sld [smem:$0x3FFB];
	_ =	sdelay $0x3  }
0x98: {  	_ =	strace s18  }
0x99: {  	s4 =	sld [smem:$0x3FFC];
	_ =	sdelay $0x3  }
0x9a: {  	_ =	strace s4  }
0x9b: {  	s4 =	sld [smem:$0x3FFD];
	_ =	sdelay $0x3  }
0x9c: {  	_ =	strace s4  }
0x9d: {  	_ =	strace $0x8FFFFFFF  }
0x9e: {  	s19 =	sld [smem:$0x3FDB];
	_ =	sdelay $0x1  }
0x9f: {  	s5 =	simm.s32 $_scs_section_size  }
0xa0: {  	s6 =	simm.s32 $_size__tile_overlayer_lowered;
	s7 =	simm.s32 $_tile_overlayer_lowered  }
0xa1: {  	s22 =	simm.s32 $0x1BFF;
	s21 =	sshll.u32 s7, $0x1;
	s4 =	sadd.s32 s5, s19  }
0xa2: {  	s8 =	simm.s32 $0x0;
	s20 =	sshll.u32 s6, $0x1;
	s6 =	sadd.s32 s21, s4  }
0xa3: {  	[timem:s8], [sflag:s22] =	dma.local [hbm:s6], s20  }
0xa4: {  	_ =	swait.ge [sflag:s22], s20  }
0xa5: {  	s5 =	ssub.s32 $0x0, s20;
	[sflag:s22] =	ssyncset.done $0x0  }
0xa6: {  	[sflag:s22] =	ssyncadd.s32 s5;
	_ =	sdelay $0x1  }
0xa7: {  	s23 =	simm.s32 $0x1B8B  }
0xa8: {  	_ =	swait.ge [sflag:s23], $0x1  }
0xa9: {  	[sflag:s23] =	ssyncset.done $0x0  }
0xaa: {  	s25 =	simm.s32 $0x1B8E;
	s24 =	sld [smem:$0x3FFE];
	[sflag:s23] =	ssyncadd.s32 $0xFFFFFFFF  }
0xab: {  	s26 =	simm.s32 $execute0_lowered;
	[smem:$0x3FD2] =	sst s25  }
0xac: {  	s6 =	sshll.u32 s26, $0x1;
	_ =	strace $0x80000046;
	[dreg:$0x1] =	wrdreg $0xFFFFFFFF  }
0xad: {  	s28 =	simm.s32 $_size_execute0_lowered;
	s4 =	sadd.s32 s4, s6;
	[dreg:$0x0] =	wrdreg $0x0  }
0xae: {  	s6 =	sshll.u32 s28, $0x1;
	[dreg:$0x2] =	wrdreg s4  }
0xaf: {  	[dreg:$0x3] =	wrdreg s6  }
0xb0: {  	[dreg:$0x4] =	wrdreg $0xC0  }
0xb1: {  	_ =	task [dreg:s8], $0x5FFFF  }
0xb2: {  	[dreg:$0x1] =	wrdreg $0xFFFFFFFF  }
0xb3: {  	[dreg:$0x0] =	wrdreg $0x60  }
0xb4: {  	[dreg:$0x2] =	wrdreg s24  }
0xb5: {  	[dreg:$0x3] =	wrdreg s16  }
0xb6: {  	[dreg:$0x4] =	wrdreg s17  }
0xb7: {  	[dreg:$0x5] =	wrdreg $0x9  }
0xb8: {  	_ =	task.clear_ibuf [dreg:s8], $0x6FFFF;
	_ =	strace $0x90000046  }
0xb9: {  	s29 =	simm.s32 $0x9;
	_ =	strace $0x80000048  }
0xba: {  	_ =	swait.ge [sflag:s29], $0x1  }
0xbb: {  	[sflag:s29] =	ssyncadd.s32 $0xFFFFFFFF  }
0xbc: {  	_ =	strace $0x90000048  }
0xbd: {  	_ =	sfence  }
0xbe: {  	s30 =	sld [smem:$0x0];
	_ =	sdelay $0x2  }
0xbf: {  	s31 =	sshll.u32 s1, $0xD;
	s1 =	sshrl.u32 s1, $0x2  }
0xc0: {  	s3 =	sand.u32 $0x4000, s31;
	s1 =	sadd.s32 s1, s30  }
0xc1: {  	s0 =	sor.u32 s3, s0;
	s1 =	sshll.u32 s1, $0x11  }
0xc2: {  	s0 =	sor.u32 s1, s0  }
0xc3: {  	s0 =	sadd.s32 $0x8F2B, s0  }
0xc4: {  	[sflag:s0] =	ssyncadd.remote.s32 $0x1  }
0xc5: {  	_ =	sfence.sel $0xFFFF  }
0xc6: {  	[dreg:$0x0] =	wrdreg $0xFFFFFFFF;
	(pc) =	sbr.abs _section_cstart, $3  }
0xc7: {  	[dreg:$0x1] =	wrdreg $0xFFFFFFFF  }
0xc8: {  	_ =	task.clear_ibuf [dreg:s8], $0x2FFFF;
	_ =	strace $0x9FFFFFFF  }
0xc9: {  	(tm) =	ssettm $0x7FFFFFFF  }
tec
execute0_lowered:
.L_overlay_start_1:
0x0: {  	(tag) =	ssettag $0x1  }
0x1: {  	s0 =	srdreg.scid  }
0x2: {  	s6 =	sand.u32 $0x1, s0  }
0x3: {  	s1 =	stileid.u32;
	s4 =	sshll.u32 s6, $0x4  }
0x4: {  	s4 =	sor.u32 s1, s4  }
0x5: {  	p0 =	sgt.u32 s4, $0x3  }
.Ltmp0:
0x6: {  	s3 =	rddreg [dreg:$0x0];
	(pc) =	sbr.rel @p0 .LBB2_4-.Ltmp0, $4  }
0x7: {  	s5 =	rddreg [dreg:$0x1]  }
0x8: {  	s7 =	rddreg [dreg:$0x2];
	s2 =	simm.s32 $0x0  }
0x9: {  	[smem:$0x7FF] =	sst s2  }
0xa: {  	s0 =	rddreg [dreg:$0x3];
	_ =	strace $0x80000047  }
0xb: {  	s3 =	sadd.s32 $0x1000, s3;
	s8 =	sshll.u32 s1, $0x4  }
0xc: {  	s4 =	sadd.s32 s3, s8;
	s3 =	simm.s32 $0x1  }
0xd: {  	[tilespmem:s2], [sflag:$0x1] =	stream.linear.gather [hbm4b:s4+s2], $0x80, $0x38;
	[tilespmem:$0x180] =	vst v63  }
0xe: {  	_ =	swait.ge [sflag:s3], $0x80  }
0xf: {  	[sflag:s3] =	ssyncset.done $0x0  }
0x10: {  	[sflag:s3] =	ssyncadd.s32 $0xFFFFFF80  }
0x11: {  	v0 =	vimm.s32 $0xFEDCBA98;
	v1 =	vimm.s32 $0x76543210;
	v10 =	vld [tilespmem:$0x0]  }
0x12: {  	v2 =	vimm.s32 $0x3210FEDC;
	v3 =	vimm.s32 $0xBA987654;
	v0 =	vunpack.c.l.s4.s8 v0;
	v11 =	vld [tilespmem:$0x10]  }
0x13: {  	v1 =	vunpack.c.l.s4.s8 v1;
	v2 =	vunpack.c.l.s4.s8 v2;
	v3 =	vunpack.c.l.s4.s8 v3;
	v12 =	vld [tilespmem:$0x20]  }
0x14: {  	v0 =	vunpack.c.0.s8.s32 v0;
	v13 =	vld [tilespmem:$0x30]  }
0x15: {  	v1 =	vunpack.c.0.s8.s32 v1;
	v2 =	vunpack.c.0.s8.s32 v2;
	v3 =	vunpack.c.0.s8.s32 v3  }
0x16: {  	v0 =	vand.u32 $0xF, v0  }
0x17: {  	v0 =	vcombine.low v0, v1;
	v1 =	vcombine.low v3, v2;
	v3 =	vmax.f32 v10, v11  }
0x18: {  	v4 =	vimm.s32 $0x98765432;
	v2 =	vimm.s32 $0x10FEDCBA;
	v3 =	vmax.f32 v3, v12  }
0x19: {  	v4 =	vunpack.c.l.s4.s8 v4;
	v2 =	vunpack.c.l.s4.s8 v2;
	v3 =	vmax.f32 v3, v13  }
0x1a: {  	v6 =	vimm.s32 $0xFEDCBA9;
	v7 =	vimm.s32 $0x87654321;
	v5 =	vperm.xlane v3, v0  }
0x1b: {  	v6 =	vunpack.c.l.s4.s8 v6;
	v4 =	vunpack.c.0.s8.s32 v4;
	v2 =	vunpack.c.0.s8.s32 v2  }
0x1c: {  	v7 =	vunpack.c.l.s4.s8 v7;
	v1 =	vand.u32 $0xF, v1;
	v3 =	vmax.f32 v3, v5  }
0x1d: {  	v2 =	vcombine.low v4, v2;
	v4 =	vperm.xlane v3, v1  }
0x1e: {  	v5 =	vunpack.c.0.s8.s32 v6;
	v6 =	vunpack.c.0.s8.s32 v7  }
0x1f: {  	v2 =	vand.u32 $0xF, v2;
	v4 =	vmax.f32 v3, v4  }
0x20: {  	v3 =	vcombine.low v6, v5;
	v5 =	vperm.xlane v4, v2;
	_ =	sdelay $0x1  }
0x21: {  	v3 =	vand.u32 $0xF, v3;
	v5 =	vmax.f32 v4, v5  }
0x22: {  	v6 =	vperm.xlane v5, v3;
	_ =	sdelay $0x1  }
0x23: {  	v4 =	vlaneseq.u32;
	v9 =	vmax.f32 v5, v6  }
0x24: {  	v5 =	vor.u32 $0x30, v4;
	vm0 =	veq.f32 v13, v9  }
0x25: {  	v6 =	vor.u32 $0x20, v4;
	vm1 =	veq.f32 v12, v9;
	v8 =	vnsel vm0, $0x40000000, v5  }
0x26: {  	v7 =	vor.u32 $0x10, v4;
	vm0 =	veq.f32 v11, v9;
	v8 =	vsel vm1, v6, v8  }
0x27: {  	vm1 =	veq.f32 v10, v9;
	v8 =	vsel vm0, v7, v8  }
0x28: {  	v8 =	vsel vm1, v4, v8  }
0x29: {  	v14 =	vperm.xlane v8, v0;
	_ =	sdelay $0x1  }
0x2a: {  	vm0 =	vlt.s32 v8, v14  }
0x2b: {  	v8 =	vsel vm0, v8, v14  }
0x2c: {  	v14 =	vperm.xlane v8, v1;
	_ =	sdelay $0x1  }
0x2d: {  	vm0 =	vlt.s32 v8, v14  }
0x2e: {  	v8 =	vsel vm0, v8, v14  }
0x2f: {  	v14 =	vperm.xlane v8, v2;
	_ =	sdelay $0x1  }
0x30: {  	vm0 =	vlt.s32 v8, v14  }
0x31: {  	v8 =	vsel vm0, v8, v14  }
0x32: {  	v14 =	vperm.xlane v8, v3;
	_ =	sdelay $0x1  }
0x33: {  	vm0 =	vlt.s32 v8, v14  }
0x34: {  	v8 =	vsel vm0, v8, v14  }
0x35: {  	vm0 =	veq.s32 v8, v4;
	vm1 =	veq.s32 v8, v7  }
0x36: {  	vm2 =	veq.s32 v8, v6;
	v35 =	vsel vm0, $0xFF61B1E6, v10;
	v15 =	vsel vm1, $0xFF61B1E6, v11  }
0x37: {  	vm0 =	veq.s32 v8, v5;
	v12 =	vsel vm2, $0xFF61B1E6, v12;
	v10 =	vmax.f32 v35, v15  }
0x38: {  	v13 =	vsel vm0, $0xFF61B1E6, v13;
	v10 =	vmax.f32 v10, v12  }
0x39: {  	v10 =	vmax.f32 v10, v13  }
0x3a: {  	v36 =	vperm.xlane v10, v0;
	_ =	sdelay $0x1  }
0x3b: {  	v10 =	vmax.f32 v10, v36  }
0x3c: {  	v11 =	vperm.xlane v10, v1;
	_ =	sdelay $0x1  }
0x3d: {  	v10 =	vmax.f32 v10, v11  }
0x3e: {  	v11 =	vperm.xlane v10, v2;
	_ =	sdelay $0x1  }
0x3f: {  	v10 =	vmax.f32 v10, v11  }
0x40: {  	v11 =	vperm.xlane v10, v3;
	_ =	sdelay $0x1  }
0x41: {  	v11 =	vmax.f32 v10, v11  }
0x42: {  	vm0 =	veq.f32 v13, v11  }
0x43: {  	vm1 =	veq.f32 v12, v11;
	v37 =	vnsel vm0, $0x40000000, v5  }
0x44: {  	vm0 =	veq.f32 v15, v11;
	v10 =	vsel vm1, v6, v37  }
0x45: {  	vm1 =	veq.f32 v35, v11;
	v10 =	vsel vm0, v7, v10  }
0x46: {  	v10 =	vsel vm1, v4, v10  }
0x47: {  	v16 =	vperm.xlane v10, v0;
	_ =	sdelay $0x1  }
0x48: {  	vm0 =	vlt.s32 v10, v16  }
0x49: {  	v10 =	vsel vm0, v10, v16  }
0x4a: {  	v16 =	vperm.xlane v10, v1;
	_ =	sdelay $0x1  }
0x4b: {  	vm0 =	vlt.s32 v10, v16  }
0x4c: {  	v10 =	vsel vm0, v10, v16  }
0x4d: {  	v16 =	vperm.xlane v10, v2;
	_ =	sdelay $0x1  }
0x4e: {  	vm0 =	vlt.s32 v10, v16  }
0x4f: {  	v10 =	vsel vm0, v10, v16  }
0x50: {  	v16 =	vperm.xlane v10, v3;
	_ =	sdelay $0x1  }
0x51: {  	vm0 =	vlt.s32 v10, v16  }
0x52: {  	v10 =	vsel vm0, v10, v16  }
0x53: {  	vm0 =	veq.s32 v10, v4;
	vm1 =	veq.s32 v10, v7  }
0x54: {  	vm2 =	veq.s32 v10, v6;
	v14 =	vsel vm0, $0xFF61B1E6, v35;
	v15 =	vsel vm1, $0xFF61B1E6, v15  }
0x55: {  	vm0 =	veq.s32 v10, v5;
	v38 =	vsel vm2, $0xFF61B1E6, v12;
	v39 =	vmax.f32 v14, v15  }
0x56: {  	v17 =	vsel vm0, $0xFF61B1E6, v13;
	v12 =	vmax.f32 v39, v38  }
0x57: {  	v12 =	vmax.f32 v12, v17  }
0x58: {  	v40 =	vperm.xlane v12, v0;
	_ =	sdelay $0x1  }
0x59: {  	v12 =	vmax.f32 v12, v40  }
0x5a: {  	v13 =	vperm.xlane v12, v1;
	_ =	sdelay $0x1  }
0x5b: {  	v12 =	vmax.f32 v12, v13  }
0x5c: {  	v13 =	vperm.xlane v12, v2;
	_ =	sdelay $0x1  }
0x5d: {  	v12 =	vmax.f32 v12, v13  }
0x5e: {  	v13 =	vperm.xlane v12, v3;
	_ =	sdelay $0x1  }
0x5f: {  	v13 =	vmax.f32 v12, v13  }
0x60: {  	vm0 =	veq.f32 v17, v13  }
0x61: {  	vm1 =	veq.f32 v38, v13;
	v41 =	vnsel vm0, $0x40000000, v5  }
0x62: {  	vm0 =	veq.f32 v15, v13;
	v12 =	vsel vm1, v6, v41  }
0x63: {  	vm1 =	veq.f32 v14, v13;
	v12 =	vsel vm0, v7, v12  }
0x64: {  	v12 =	vsel vm1, v4, v12  }
0x65: {  	v18 =	vperm.xlane v12, v0;
	_ =	sdelay $0x1  }
0x66: {  	vm0 =	vlt.s32 v12, v18  }
0x67: {  	v12 =	vsel vm0, v12, v18  }
0x68: {  	v18 =	vperm.xlane v12, v1;
	_ =	sdelay $0x1  }
0x69: {  	vm0 =	vlt.s32 v12, v18  }
0x6a: {  	v12 =	vsel vm0, v12, v18  }
0x6b: {  	v18 =	vperm.xlane v12, v2;
	_ =	sdelay $0x1  }
0x6c: {  	vm0 =	vlt.s32 v12, v18  }
0x6d: {  	v12 =	vsel vm0, v12, v18  }
0x6e: {  	v18 =	vperm.xlane v12, v3;
	_ =	sdelay $0x1  }
0x6f: {  	vm0 =	vlt.s32 v12, v18  }
0x70: {  	v12 =	vsel vm0, v12, v18  }
0x71: {  	vm0 =	veq.s32 v12, v4;
	vm1 =	veq.s32 v12, v7  }
0x72: {  	vm2 =	veq.s32 v12, v6;
	v42 =	vsel vm0, $0xFF61B1E6, v14;
	v19 =	vsel vm1, $0xFF61B1E6, v15  }
0x73: {  	vm0 =	veq.s32 v12, v5;
	v16 =	vsel vm2, $0xFF61B1E6, v38;
	v14 =	vmax.f32 v42, v19  }
0x74: {  	v17 =	vsel vm0, $0xFF61B1E6, v17;
	v14 =	vmax.f32 v14, v16  }
0x75: {  	v14 =	vmax.f32 v14, v17  }
0x76: {  	v43 =	vperm.xlane v14, v0;
	_ =	sdelay $0x1  }
0x77: {  	v14 =	vmax.f32 v14, v43  }
0x78: {  	v15 =	vperm.xlane v14, v1;
	_ =	sdelay $0x1  }
0x79: {  	v14 =	vmax.f32 v14, v15  }
0x7a: {  	v15 =	vperm.xlane v14, v2;
	_ =	sdelay $0x1  }
0x7b: {  	v14 =	vmax.f32 v14, v15  }
0x7c: {  	v15 =	vperm.xlane v14, v3;
	_ =	sdelay $0x1  }
0x7d: {  	v15 =	vmax.f32 v14, v15  }
0x7e: {  	vm0 =	veq.f32 v17, v15  }
0x7f: {  	vm1 =	veq.f32 v16, v15;
	v44 =	vnsel vm0, $0x40000000, v5  }
0x80: {  	vm0 =	veq.f32 v19, v15;
	v14 =	vsel vm1, v6, v44  }
0x81: {  	vm1 =	veq.f32 v42, v15;
	v14 =	vsel vm0, v7, v14  }
0x82: {  	v14 =	vsel vm1, v4, v14  }
0x83: {  	v20 =	vperm.xlane v14, v0;
	_ =	sdelay $0x1  }
0x84: {  	vm0 =	vlt.s32 v14, v20  }
0x85: {  	v14 =	vsel vm0, v14, v20  }
0x86: {  	v20 =	vperm.xlane v14, v1;
	_ =	sdelay $0x1  }
0x87: {  	vm0 =	vlt.s32 v14, v20  }
0x88: {  	v14 =	vsel vm0, v14, v20  }
0x89: {  	v20 =	vperm.xlane v14, v2;
	_ =	sdelay $0x1  }
0x8a: {  	vm0 =	vlt.s32 v14, v20  }
0x8b: {  	v14 =	vsel vm0, v14, v20  }
0x8c: {  	v20 =	vperm.xlane v14, v3;
	_ =	sdelay $0x1  }
0x8d: {  	vm0 =	vlt.s32 v14, v20  }
0x8e: {  	v14 =	vsel vm0, v14, v20  }
0x8f: {  	vm0 =	veq.s32 v14, v4;
	vm1 =	veq.s32 v14, v7  }
0x90: {  	vm2 =	veq.s32 v14, v6;
	v18 =	vsel vm0, $0xFF61B1E6, v42;
	v19 =	vsel vm1, $0xFF61B1E6, v19  }
0x91: {  	vm0 =	veq.s32 v14, v5;
	v45 =	vsel vm2, $0xFF61B1E6, v16;
	v46 =	vmax.f32 v18, v19  }
0x92: {  	v17 =	vsel vm0, $0xFF61B1E6, v17;
	v16 =	vmax.f32 v46, v45  }
0x93: {  	v16 =	vmax.f32 v16, v17  }
0x94: {  	v21 =	vperm.xlane v16, v0;
	_ =	sdelay $0x1  }
0x95: {  	v16 =	vmax.f32 v16, v21  }
0x96: {  	v21 =	vperm.xlane v16, v1;
	_ =	sdelay $0x1  }
0x97: {  	v16 =	vmax.f32 v16, v21  }
0x98: {  	v21 =	vperm.xlane v16, v2;
	_ =	sdelay $0x1  }
0x99: {  	v16 =	vmax.f32 v16, v21  }
0x9a: {  	v21 =	vperm.xlane v16, v3;
	_ =	sdelay $0x1  }
0x9b: {  	v21 =	vmax.f32 v16, v21  }
0x9c: {  	vm0 =	veq.f32 v17, v21  }
0x9d: {  	vm1 =	veq.f32 v45, v21;
	v47 =	vnsel vm0, $0x40000000, v5  }
0x9e: {  	vm0 =	veq.f32 v19, v21;
	v16 =	vsel vm1, v6, v47  }
0x9f: {  	vm1 =	veq.f32 v18, v21;
	v16 =	vsel vm0, v7, v16  }
0xa0: {  	v16 =	vsel vm1, v4, v16  }
0xa1: {  	v22 =	vperm.xlane v16, v0;
	_ =	sdelay $0x1  }
0xa2: {  	vm0 =	vlt.s32 v16, v22  }
0xa3: {  	v16 =	vsel vm0, v16, v22  }
0xa4: {  	v22 =	vperm.xlane v16, v1;
	_ =	sdelay $0x1  }
0xa5: {  	vm0 =	vlt.s32 v16, v22  }
0xa6: {  	v16 =	vsel vm0, v16, v22  }
0xa7: {  	v22 =	vperm.xlane v16, v2;
	_ =	sdelay $0x1  }
0xa8: {  	vm0 =	vlt.s32 v16, v22  }
0xa9: {  	v16 =	vsel vm0, v16, v22  }
0xaa: {  	v22 =	vperm.xlane v16, v3;
	_ =	sdelay $0x1  }
0xab: {  	vm0 =	vlt.s32 v16, v22  }
0xac: {  	v16 =	vsel vm0, v16, v22  }
0xad: {  	vm0 =	veq.s32 v16, v4;
	vm1 =	veq.s32 v16, v7  }
0xae: {  	vm2 =	veq.s32 v16, v6;
	v18 =	vsel vm0, $0xFF61B1E6, v18;
	v19 =	vsel vm1, $0xFF61B1E6, v19  }
0xaf: {  	vm0 =	veq.s32 v16, v5;
	v20 =	vsel vm2, $0xFF61B1E6, v45;
	v48 =	vmax.f32 v18, v19  }
0xb0: {  	v17 =	vsel vm0, $0xFF61B1E6, v17;
	v22 =	vmax.f32 v48, v20  }
0xb1: {  	v22 =	vmax.f32 v22, v17  }
0xb2: {  	v23 =	vperm.xlane v22, v0;
	_ =	sdelay $0x1  }
0xb3: {  	v22 =	vmax.f32 v22, v23  }
0xb4: {  	v23 =	vperm.xlane v22, v1;
	_ =	sdelay $0x1  }
0xb5: {  	v22 =	vmax.f32 v22, v23  }
0xb6: {  	v23 =	vperm.xlane v22, v2;
	_ =	sdelay $0x1  }
0xb7: {  	v22 =	vmax.f32 v22, v23  }
0xb8: {  	v23 =	vperm.xlane v22, v3;
	_ =	sdelay $0x1  }
0xb9: {  	v22 =	vmax.f32 v22, v23  }
0xba: {  	vm0 =	veq.f32 v17, v22  }
0xbb: {  	vm1 =	veq.f32 v20, v22;
	v49 =	vnsel vm0, $0x40000000, v5  }
0xbc: {  	vm0 =	veq.f32 v19, v22;
	v23 =	vsel vm1, v6, v49  }
0xbd: {  	vm1 =	veq.f32 v18, v22;
	v23 =	vsel vm0, v7, v23  }
0xbe: {  	v23 =	vsel vm1, v4, v23  }
0xbf: {  	v24 =	vperm.xlane v23, v0;
	_ =	sdelay $0x1  }
0xc0: {  	vm0 =	vlt.s32 v23, v24  }
0xc1: {  	v23 =	vsel vm0, v23, v24  }
0xc2: {  	v24 =	vperm.xlane v23, v1;
	_ =	sdelay $0x1  }
0xc3: {  	vm0 =	vlt.s32 v23, v24  }
0xc4: {  	v23 =	vsel vm0, v23, v24  }
0xc5: {  	v24 =	vperm.xlane v23, v2;
	_ =	sdelay $0x1  }
0xc6: {  	vm0 =	vlt.s32 v23, v24  }
0xc7: {  	v23 =	vsel vm0, v23, v24  }
0xc8: {  	v24 =	vperm.xlane v23, v3;
	_ =	sdelay $0x1  }
0xc9: {  	vm0 =	vlt.s32 v23, v24  }
0xca: {  	v23 =	vsel vm0, v23, v24  }
0xcb: {  	vm0 =	veq.s32 v23, v4;
	vm1 =	veq.s32 v23, v7  }
0xcc: {  	vm2 =	veq.s32 v23, v6;
	v18 =	vsel vm0, $0xFF61B1E6, v18;
	v19 =	vsel vm1, $0xFF61B1E6, v19  }
0xcd: {  	vm0 =	veq.s32 v23, v5;
	v20 =	vsel vm2, $0xFF61B1E6, v20;
	v50 =	vmax.f32 v18, v19  }
0xce: {  	v17 =	vsel vm0, $0xFF61B1E6, v17;
	v24 =	vmax.f32 v50, v20  }
0xcf: {  	v24 =	vmax.f32 v24, v17  }
0xd0: {  	v25 =	vperm.xlane v24, v0;
	_ =	sdelay $0x1  }
0xd1: {  	v24 =	vmax.f32 v24, v25  }
0xd2: {  	v25 =	vperm.xlane v24, v1;
	_ =	sdelay $0x1  }
0xd3: {  	v24 =	vmax.f32 v24, v25  }
0xd4: {  	v25 =	vperm.xlane v24, v2;
	_ =	sdelay $0x1  }
0xd5: {  	v24 =	vmax.f32 v24, v25  }
0xd6: {  	v25 =	vperm.xlane v24, v3;
	_ =	sdelay $0x1  }
0xd7: {  	v24 =	vmax.f32 v24, v25  }
0xd8: {  	vm0 =	veq.f32 v17, v24  }
0xd9: {  	vm1 =	veq.f32 v20, v24;
	v51 =	vnsel vm0, $0x40000000, v5  }
0xda: {  	vm0 =	veq.f32 v19, v24;
	v25 =	vsel vm1, v6, v51  }
0xdb: {  	vm1 =	veq.f32 v18, v24;
	v25 =	vsel vm0, v7, v25  }
0xdc: {  	v25 =	vsel vm1, v4, v25  }
0xdd: {  	v26 =	vperm.xlane v25, v0;
	_ =	sdelay $0x1  }
0xde: {  	vm0 =	vlt.s32 v25, v26  }
0xdf: {  	v25 =	vsel vm0, v25, v26  }
0xe0: {  	v26 =	vperm.xlane v25, v1;
	_ =	sdelay $0x1  }
0xe1: {  	vm0 =	vlt.s32 v25, v26  }
0xe2: {  	v25 =	vsel vm0, v25, v26  }
0xe3: {  	v26 =	vperm.xlane v25, v2;
	_ =	sdelay $0x1  }
0xe4: {  	vm0 =	vlt.s32 v25, v26  }
0xe5: {  	v25 =	vsel vm0, v25, v26  }
0xe6: {  	v26 =	vperm.xlane v25, v3;
	_ =	sdelay $0x1  }
0xe7: {  	vm0 =	vlt.s32 v25, v26  }
0xe8: {  	v25 =	vsel vm0, v25, v26  }
0xe9: {  	vm0 =	veq.s32 v25, v4;
	vm1 =	veq.s32 v25, v7  }
0xea: {  	vm2 =	veq.s32 v25, v6;
	v18 =	vsel vm0, $0xFF61B1E6, v18;
	v19 =	vsel vm1, $0xFF61B1E6, v19  }
0xeb: {  	vm0 =	veq.s32 v25, v5;
	v20 =	vsel vm2, $0xFF61B1E6, v20;
	v52 =	vmax.f32 v18, v19  }
0xec: {  	v17 =	vsel vm0, $0xFF61B1E6, v17;
	v26 =	vmax.f32 v52, v20  }
0xed: {  	v26 =	vmax.f32 v26, v17  }
0xee: {  	v27 =	vperm.xlane v26, v0;
	_ =	sdelay $0x1  }
0xef: {  	v26 =	vmax.f32 v26, v27  }
0xf0: {  	v27 =	vperm.xlane v26, v1  }
0xf1: {  	vm0 =	vmmov $0x1  }
0xf2: {  	vm1 =	vcmask $0x320;
	v28 =	vnsel vm0, $0x0, v9;
	v26 =	vmax.f32 v26, v27  }
0xf3: {  	vm2 =	vcmask $0x720;
	v11 =	vsel vm1, v28, v11;
	v27 =	vperm.xlane v26, v2  }
0xf4: {  	vm3 =	vcmask $0xB20;
	v11 =	vsel vm2, v11, v13  }
0xf5: {  	vm4 =	vcmask $0xF20;
	v11 =	vsel vm3, v11, v15;
	v53 =	vmax.f32 v26, v27  }
0xf6: {  	vm5 =	vcmask $0x1320;
	v11 =	vsel vm4, v11, v21;
	v54 =	vperm.xlane v53, v3  }
0xf7: {  	vm6 =	vcmask $0x1720;
	v11 =	vsel vm5, v11, v22  }
0xf8: {  	vm7 =	vcmask $0x1B20;
	v11 =	vsel vm6, v11, v24;
	v13 =	vmax.f32 v53, v54  }
0xf9: {  	v11 =	vsel vm7, v11, v13  }
0xfa: {  	v9 =	vsub.f32 v11, v9;
	_ =	sdelay $0x1  }
0xfb: {  	v9 =	vmul.f32 $1.442695020e+00, v9;
	_ =	sdelay $0x1  }
0xfc: {  	(erf) = vpow2.f32 v9;
	_ =	sdelay $0x8  }
0xfd: {  	vm8 =	vmmov $0xff;
	v9 =	vpop (erf)  }
0xfe: {  	v9 =	vnsel vm8, $0x0, v9  }
0xff: {  	v55 =	vperm.xlane v9, v0;
	_ =	sdelay $0x1  }
0x100: {  	v11 =	vadd.f32 v9, v55;
	_ =	sdelay $0x1  }
0x101: {  	v56 =	vperm.xlane v11, v1  }
0x102: {  	vm9 =	veq.f32 v17, v13  }
0x103: {  	vm10 =	veq.f32 v20, v13;
	v17 =	vnsel vm9, $0x40000000, v5;
	v11 =	vadd.f32 v11, v56  }
0x104: {  	vm9 =	veq.f32 v19, v13;
	v57 =	vsel vm10, v6, v17  }
0x105: {  	vm10 =	veq.f32 v18, v13;
	v58 =	vsel vm9, v7, v57;
	v59 =	vperm.xlane v11, v2  }
0x106: {  	v13 =	vsel vm10, v4, v58  }
0x107: {  	v60 =	vperm.xlane v13, v0;
	v11 =	vadd.f32 v11, v59;
	_ =	sdelay $0x1  }
0x108: {  	vm9 =	vlt.s32 v13, v60;
	v15 =	vperm.xlane v11, v3  }
0x109: {  	v13 =	vsel vm9, v13, v60  }
0x10a: {  	v17 =	vperm.xlane v13, v1;
	v11 =	vadd.f32 v11, v15;
	_ =	sdelay $0x1  }
0x10b: {  	vm9 =	vlt.s32 v13, v17;
	(erf) = vrcp.f32 v11  }
0x10c: {  	v61 =	vsel vm9, v13, v17  }
0x10d: {  	v13 =	vperm.xlane v61, v2  }
0x10e: {  	v8 =	vnsel vm0, $0x0, v8  }
0x10f: {  	v8 =	vsel vm1, v8, v10;
	vm9 =	vlt.s32 v61, v13  }
0x110: {  	v8 =	vsel vm2, v8, v12;
	v62 =	vsel vm9, v61, v13  }
0x111: {  	v8 =	vsel vm3, v8, v14;
	v11 =	vperm.xlane v62, v3  }
0x112: {  	v8 =	vsel vm4, v8, v16  }
0x113: {  	s9 =	ssub.s32 $0x2, s6;
	v8 =	vsel vm5, v8, v23;
	vm9 =	vlt.s32 v62, v11  }
0x114: {  	s10 =	sshrl.u32 s9, $0x1;
	v8 =	vsel vm6, v8, v25;
	v10 =	vsel vm9, v62, v11;
	v63 =	vpop (erf)  }
0x115: {  	s31 =	ssub.s32 s9, s10;
	v8 =	vsel vm7, v8, v10;
	v9 =	vmul.f32 v63, v9  }
0x116: {  	s9 =	smax.u32 s31, $0x1;
	[tilespmem:$0x80] =	vst v8  }
0x117: {  	s6 =	simm.s32 $0x80;
	s5 =	sadd.s32 s5, s8;
	p0 =	sne.s32 s9, $0x1;
	[tilespmem:$0x100] =	vst v9  }
0x118: {  	[hbm4b:s5+s2] =	stream.linear.scatter [tilespmem:s6], [sflag:$0x1], $0x80, $0x38;
	[tilespmem:$0x180] =	vst v63  }
.Ltmp1:
0x119: {  	_ = 	snop;
	(pc) =	sbr.rel @!p0 .LBB2_3-.Ltmp1, $4  }
0x11a: {  	_ =	swait.ge [sflag:s3], $0x80  }
0x11b: {  	s7 =	sadd.s32 s7, s8;
	[sflag:s3] =	ssyncset.done $0x0  }
0x11c: {  	s8 =	simm.s32 $0x100;
	s9 =	sadd.s32 $0xFFFFFFFF, s9;
	[sflag:s3] =	ssyncadd.s32 $0xFFFFFF80  }
0x11d: {  	[hbm4b:s7+s2] =	stream.linear.scatter [tilespmem:s8], [sflag:$0x1], $0x80, $0x38;
	[tilespmem:$0x180] =	vst v63  }
.LBB2_2:
0x11e: {  	p0 =	sne.s32 s9, $0x1;
	s9 =	sadd.s32 $0xFFFFFFFF, s9;
	_ =	swait.ge [sflag:s3], $0x80  }
0x11f: {  	[sflag:s3] =	ssyncset.done $0x0  }
0x120: {  	[sflag:s3] =	ssyncadd.s32 $0xFFFFFF80  }
0x121: {  	[tilespmem:s2], [sflag:$0x1] =	stream.linear.gather [hbm4b:s4+s2], $0x80, $0x38;
	[tilespmem:$0x180] =	vst v63  }
0x122: {  	_ =	swait.ge [sflag:s3], $0x80  }
0x123: {  	[sflag:s3] =	ssyncset.done $0x0  }
0x124: {  	[sflag:s3] =	ssyncadd.s32 $0xFFFFFF80  }
0x125: {  	v10 =	vld [tilespmem:$0x20]  }
0x126: {  	v11 =	vld [tilespmem:$0x0]  }
0x127: {  	v12 =	vld [tilespmem:$0x10]  }
0x128: {  	v13 =	vld [tilespmem:$0x30];
	_ =	sdelay $0x3  }
0x129: {  	v8 =	vmax.f32 v11, v12  }
0x12a: {  	v8 =	vmax.f32 v8, v10  }
0x12b: {  	v8 =	vmax.f32 v8, v13  }
0x12c: {  	v9 =	vperm.xlane v8, v0;
	_ =	sdelay $0x1  }
0x12d: {  	v8 =	vmax.f32 v8, v9  }
0x12e: {  	v9 =	vperm.xlane v8, v1;
	_ =	sdelay $0x1  }
0x12f: {  	v8 =	vmax.f32 v8, v9  }
0x130: {  	v9 =	vperm.xlane v8, v2;
	_ =	sdelay $0x1  }
0x131: {  	v8 =	vmax.f32 v8, v9  }
0x132: {  	v9 =	vperm.xlane v8, v3;
	_ =	sdelay $0x1  }
0x133: {  	v8 =	vmax.f32 v8, v9  }
0x134: {  	vm9 =	veq.f32 v12, v8;
	vm10 =	veq.f32 v10, v8;
	vm11 =	veq.f32 v13, v8  }
0x135: {  	vm12 =	veq.f32 v11, v8;
	v9 =	vnsel vm11, $0x40000000, v5  }
0x136: {  	v9 =	vsel vm10, v6, v9  }
0x137: {  	v9 =	vsel vm9, v7, v9  }
0x138: {  	v9 =	vsel vm12, v4, v9  }
0x139: {  	v14 =	vperm.xlane v9, v0;
	_ =	sdelay $0x1  }
0x13a: {  	vm9 =	vlt.s32 v9, v14  }
0x13b: {  	v9 =	vsel vm9, v9, v14  }
0x13c: {  	v14 =	vperm.xlane v9, v1;
	_ =	sdelay $0x1  }
0x13d: {  	vm9 =	vlt.s32 v9, v14  }
0x13e: {  	v9 =	vsel vm9, v9, v14  }
0x13f: {  	v14 =	vperm.xlane v9, v2;
	_ =	sdelay $0x1  }
0x140: {  	vm9 =	vlt.s32 v9, v14  }
0x141: {  	v9 =	vsel vm9, v9, v14  }
0x142: {  	v14 =	vperm.xlane v9, v3;
	_ =	sdelay $0x1  }
0x143: {  	vm9 =	vlt.s32 v9, v14  }
0x144: {  	v9 =	vsel vm9, v9, v14  }
0x145: {  	vm9 =	veq.s32 v9, v4;
	vm10 =	veq.s32 v9, v7;
	vm11 =	veq.s32 v9, v6  }
0x146: {  	v14 =	vsel vm9, $0xFF61B1E6, v11;
	v12 =	vsel vm10, $0xFF61B1E6, v12;
	vm9 =	veq.s32 v9, v5  }
0x147: {  	v15 =	vsel vm11, $0xFF61B1E6, v10;
	v13 =	vsel vm9, $0xFF61B1E6, v13;
	v10 =	vmax.f32 v14, v12  }
0x148: {  	v10 =	vmax.f32 v10, v15  }
0x149: {  	v10 =	vmax.f32 v10, v13  }
0x14a: {  	v11 =	vperm.xlane v10, v0;
	_ =	sdelay $0x1  }
0x14b: {  	v10 =	vmax.f32 v10, v11  }
0x14c: {  	v11 =	vperm.xlane v10, v1;
	_ =	sdelay $0x1  }
0x14d: {  	v10 =	vmax.f32 v10, v11  }
0x14e: {  	v11 =	vperm.xlane v10, v2;
	_ =	sdelay $0x1  }
0x14f: {  	v10 =	vmax.f32 v10, v11  }
0x150: {  	v11 =	vperm.xlane v10, v3;
	_ =	sdelay $0x1  }
0x151: {  	v11 =	vmax.f32 v10, v11  }
0x152: {  	vm9 =	veq.f32 v12, v11;
	vm10 =	veq.f32 v15, v11;
	vm11 =	veq.f32 v13, v11  }
0x153: {  	vm12 =	veq.f32 v14, v11;
	v10 =	vnsel vm11, $0x40000000, v5  }
0x154: {  	v10 =	vsel vm10, v6, v10  }
0x155: {  	v10 =	vsel vm9, v7, v10  }
0x156: {  	v10 =	vsel vm12, v4, v10  }
0x157: {  	v16 =	vperm.xlane v10, v0;
	_ =	sdelay $0x1  }
0x158: {  	vm9 =	vlt.s32 v10, v16  }
0x159: {  	v10 =	vsel vm9, v10, v16  }
0x15a: {  	v16 =	vperm.xlane v10, v1;
	_ =	sdelay $0x1  }
0x15b: {  	vm9 =	vlt.s32 v10, v16  }
0x15c: {  	v10 =	vsel vm9, v10, v16  }
0x15d: {  	v16 =	vperm.xlane v10, v2;
	_ =	sdelay $0x1  }
0x15e: {  	vm9 =	vlt.s32 v10, v16  }
0x15f: {  	v10 =	vsel vm9, v10, v16  }
0x160: {  	v16 =	vperm.xlane v10, v3;
	_ =	sdelay $0x1  }
0x161: {  	vm9 =	vlt.s32 v10, v16  }
0x162: {  	v10 =	vsel vm9, v10, v16  }
0x163: {  	vm9 =	veq.s32 v10, v4;
	vm10 =	veq.s32 v10, v7;
	vm11 =	veq.s32 v10, v6  }
0x164: {  	v14 =	vsel vm9, $0xFF61B1E6, v14;
	v16 =	vsel vm10, $0xFF61B1E6, v12;
	vm9 =	veq.s32 v10, v5  }
0x165: {  	v15 =	vsel vm11, $0xFF61B1E6, v15;
	v17 =	vsel vm9, $0xFF61B1E6, v13;
	v12 =	vmax.f32 v14, v16  }
0x166: {  	v12 =	vmax.f32 v12, v15  }
0x167: {  	v12 =	vmax.f32 v12, v17  }
0x168: {  	v13 =	vperm.xlane v12, v0;
	_ =	sdelay $0x1  }
0x169: {  	v12 =	vmax.f32 v12, v13  }
0x16a: {  	v13 =	vperm.xlane v12, v1;
	_ =	sdelay $0x1  }
0x16b: {  	v12 =	vmax.f32 v12, v13  }
0x16c: {  	v13 =	vperm.xlane v12, v2;
	_ =	sdelay $0x1  }
0x16d: {  	v12 =	vmax.f32 v12, v13  }
0x16e: {  	v13 =	vperm.xlane v12, v3;
	_ =	sdelay $0x1  }
0x16f: {  	v13 =	vmax.f32 v12, v13  }
0x170: {  	vm9 =	veq.f32 v16, v13;
	vm10 =	veq.f32 v15, v13;
	vm11 =	veq.f32 v17, v13  }
0x171: {  	vm12 =	veq.f32 v14, v13;
	v12 =	vnsel vm11, $0x40000000, v5  }
0x172: {  	v12 =	vsel vm10, v6, v12  }
0x173: {  	v12 =	vsel vm9, v7, v12  }
0x174: {  	v12 =	vsel vm12, v4, v12  }
0x175: {  	v18 =	vperm.xlane v12, v0;
	_ =	sdelay $0x1  }
0x176: {  	vm9 =	vlt.s32 v12, v18  }
0x177: {  	v12 =	vsel vm9, v12, v18  }
0x178: {  	v18 =	vperm.xlane v12, v1;
	_ =	sdelay $0x1  }
0x179: {  	vm9 =	vlt.s32 v12, v18  }
0x17a: {  	v12 =	vsel vm9, v12, v18  }
0x17b: {  	v18 =	vperm.xlane v12, v2;
	_ =	sdelay $0x1  }
0x17c: {  	vm9 =	vlt.s32 v12, v18  }
0x17d: {  	v12 =	vsel vm9, v12, v18  }
0x17e: {  	v18 =	vperm.xlane v12, v3;
	_ =	sdelay $0x1  }
0x17f: {  	vm9 =	vlt.s32 v12, v18  }
0x180: {  	v12 =	vsel vm9, v12, v18  }
0x181: {  	vm9 =	veq.s32 v12, v4;
	vm10 =	veq.s32 v12, v7;
	vm11 =	veq.s32 v12, v6  }
0x182: {  	v18 =	vsel vm9, $0xFF61B1E6, v14;
	v16 =	vsel vm10, $0xFF61B1E6, v16;
	vm9 =	veq.s32 v12, v5  }
0x183: {  	v19 =	vsel vm11, $0xFF61B1E6, v15;
	v17 =	vsel vm9, $0xFF61B1E6, v17;
	v14 =	vmax.f32 v18, v16  }
0x184: {  	v14 =	vmax.f32 v14, v19  }
0x185: {  	v14 =	vmax.f32 v14, v17  }
0x186: {  	v15 =	vperm.xlane v14, v0;
	_ =	sdelay $0x1  }
0x187: {  	v14 =	vmax.f32 v14, v15  }
0x188: {  	v15 =	vperm.xlane v14, v1;
	_ =	sdelay $0x1  }
0x189: {  	v14 =	vmax.f32 v14, v15  }
0x18a: {  	v15 =	vperm.xlane v14, v2;
	_ =	sdelay $0x1  }
0x18b: {  	v14 =	vmax.f32 v14, v15  }
0x18c: {  	v15 =	vperm.xlane v14, v3;
	_ =	sdelay $0x1  }
0x18d: {  	v15 =	vmax.f32 v14, v15  }
0x18e: {  	vm9 =	veq.f32 v16, v15;
	vm10 =	veq.f32 v19, v15;
	vm11 =	veq.f32 v17, v15  }
0x18f: {  	vm12 =	veq.f32 v18, v15;
	v14 =	vnsel vm11, $0x40000000, v5  }
0x190: {  	v14 =	vsel vm10, v6, v14  }
0x191: {  	v14 =	vsel vm9, v7, v14  }
0x192: {  	v14 =	vsel vm12, v4, v14  }
0x193: {  	v20 =	vperm.xlane v14, v0;
	_ =	sdelay $0x1  }
0x194: {  	vm9 =	vlt.s32 v14, v20  }
0x195: {  	v14 =	vsel vm9, v14, v20  }
0x196: {  	v20 =	vperm.xlane v14, v1;
	_ =	sdelay $0x1  }
0x197: {  	vm9 =	vlt.s32 v14, v20  }
0x198: {  	v14 =	vsel vm9, v14, v20  }
0x199: {  	v20 =	vperm.xlane v14, v2;
	_ =	sdelay $0x1  }
0x19a: {  	vm9 =	vlt.s32 v14, v20  }
0x19b: {  	v14 =	vsel vm9, v14, v20  }
0x19c: {  	v20 =	vperm.xlane v14, v3;
	_ =	sdelay $0x1  }
0x19d: {  	vm9 =	vlt.s32 v14, v20  }
0x19e: {  	v14 =	vsel vm9, v14, v20  }
0x19f: {  	vm9 =	veq.s32 v14, v4;
	vm10 =	veq.s32 v14, v7;
	vm11 =	veq.s32 v14, v6  }
0x1a0: {  	v18 =	vsel vm9, $0xFF61B1E6, v18;
	v20 =	vsel vm10, $0xFF61B1E6, v16;
	vm9 =	veq.s32 v14, v5  }
0x1a1: {  	v19 =	vsel vm11, $0xFF61B1E6, v19;
	v21 =	vsel vm9, $0xFF61B1E6, v17;
	v16 =	vmax.f32 v18, v20  }
0x1a2: {  	v16 =	vmax.f32 v16, v19  }
0x1a3: {  	v16 =	vmax.f32 v16, v21  }
0x1a4: {  	v17 =	vperm.xlane v16, v0;
	_ =	sdelay $0x1  }
0x1a5: {  	v16 =	vmax.f32 v16, v17  }
0x1a6: {  	v17 =	vperm.xlane v16, v1;
	_ =	sdelay $0x1  }
0x1a7: {  	v16 =	vmax.f32 v16, v17  }
0x1a8: {  	v17 =	vperm.xlane v16, v2;
	_ =	sdelay $0x1  }
0x1a9: {  	v16 =	vmax.f32 v16, v17  }
0x1aa: {  	v17 =	vperm.xlane v16, v3;
	_ =	sdelay $0x1  }
0x1ab: {  	v17 =	vmax.f32 v16, v17  }
0x1ac: {  	vm9 =	veq.f32 v20, v17;
	vm10 =	veq.f32 v19, v17;
	vm11 =	veq.f32 v21, v17  }
0x1ad: {  	vm12 =	veq.f32 v18, v17;
	v16 =	vnsel vm11, $0x40000000, v5  }
0x1ae: {  	v16 =	vsel vm10, v6, v16  }
0x1af: {  	v16 =	vsel vm9, v7, v16  }
0x1b0: {  	v16 =	vsel vm12, v4, v16  }
0x1b1: {  	v22 =	vperm.xlane v16, v0;
	_ =	sdelay $0x1  }
0x1b2: {  	vm9 =	vlt.s32 v16, v22  }
0x1b3: {  	v16 =	vsel vm9, v16, v22  }
0x1b4: {  	v22 =	vperm.xlane v16, v1;
	_ =	sdelay $0x1  }
0x1b5: {  	vm9 =	vlt.s32 v16, v22  }
0x1b6: {  	v16 =	vsel vm9, v16, v22  }
0x1b7: {  	v22 =	vperm.xlane v16, v2;
	_ =	sdelay $0x1  }
0x1b8: {  	vm9 =	vlt.s32 v16, v22  }
0x1b9: {  	v16 =	vsel vm9, v16, v22  }
0x1ba: {  	v22 =	vperm.xlane v16, v3;
	_ =	sdelay $0x1  }
0x1bb: {  	vm9 =	vlt.s32 v16, v22  }
0x1bc: {  	v16 =	vsel vm9, v16, v22  }
0x1bd: {  	vm9 =	veq.s32 v16, v4;
	vm10 =	veq.s32 v16, v7;
	vm11 =	veq.s32 v16, v6  }
0x1be: {  	v22 =	vsel vm9, $0xFF61B1E6, v18;
	v20 =	vsel vm10, $0xFF61B1E6, v20;
	vm9 =	veq.s32 v16, v5  }
0x1bf: {  	v23 =	vsel vm11, $0xFF61B1E6, v19;
	v21 =	vsel vm9, $0xFF61B1E6, v21;
	v18 =	vmax.f32 v22, v20  }
0x1c0: {  	v18 =	vmax.f32 v18, v23  }
0x1c1: {  	v18 =	vmax.f32 v18, v21  }
0x1c2: {  	v19 =	vperm.xlane v18, v0;
	_ =	sdelay $0x1  }
0x1c3: {  	v18 =	vmax.f32 v18, v19  }
0x1c4: {  	v19 =	vperm.xlane v18, v1;
	_ =	sdelay $0x1  }
0x1c5: {  	v18 =	vmax.f32 v18, v19  }
0x1c6: {  	v19 =	vperm.xlane v18, v2;
	_ =	sdelay $0x1  }
0x1c7: {  	v18 =	vmax.f32 v18, v19  }
0x1c8: {  	v19 =	vperm.xlane v18, v3;
	_ =	sdelay $0x1  }
0x1c9: {  	v19 =	vmax.f32 v18, v19  }
0x1ca: {  	vm9 =	veq.f32 v20, v19;
	vm10 =	veq.f32 v23, v19;
	vm11 =	veq.f32 v21, v19  }
0x1cb: {  	vm12 =	veq.f32 v22, v19;
	v18 =	vnsel vm11, $0x40000000, v5  }
0x1cc: {  	v18 =	vsel vm10, v6, v18  }
0x1cd: {  	v18 =	vsel vm9, v7, v18  }
0x1ce: {  	v18 =	vsel vm12, v4, v18  }
0x1cf: {  	v24 =	vperm.xlane v18, v0;
	_ =	sdelay $0x1  }
0x1d0: {  	vm9 =	vlt.s32 v18, v24  }
0x1d1: {  	v18 =	vsel vm9, v18, v24  }
0x1d2: {  	v24 =	vperm.xlane v18, v1;
	_ =	sdelay $0x1  }
0x1d3: {  	vm9 =	vlt.s32 v18, v24  }
0x1d4: {  	v18 =	vsel vm9, v18, v24  }
0x1d5: {  	v24 =	vperm.xlane v18, v2;
	_ =	sdelay $0x1  }
0x1d6: {  	vm9 =	vlt.s32 v18, v24  }
0x1d7: {  	v18 =	vsel vm9, v18, v24  }
0x1d8: {  	v24 =	vperm.xlane v18, v3;
	_ =	sdelay $0x1  }
0x1d9: {  	vm9 =	vlt.s32 v18, v24  }
0x1da: {  	v18 =	vsel vm9, v18, v24  }
0x1db: {  	vm9 =	veq.s32 v18, v4;
	vm10 =	veq.s32 v18, v7;
	vm11 =	veq.s32 v18, v6  }
0x1dc: {  	v22 =	vsel vm9, $0xFF61B1E6, v22;
	v20 =	vsel vm10, $0xFF61B1E6, v20;
	vm9 =	veq.s32 v18, v5  }
0x1dd: {  	v23 =	vsel vm11, $0xFF61B1E6, v23;
	v21 =	vsel vm9, $0xFF61B1E6, v21;
	v24 =	vmax.f32 v22, v20  }
0x1de: {  	v24 =	vmax.f32 v24, v23  }
0x1df: {  	v24 =	vmax.f32 v24, v21  }
0x1e0: {  	v25 =	vperm.xlane v24, v0;
	_ =	sdelay $0x1  }
0x1e1: {  	v24 =	vmax.f32 v24, v25  }
0x1e2: {  	v25 =	vperm.xlane v24, v1;
	_ =	sdelay $0x1  }
0x1e3: {  	v24 =	vmax.f32 v24, v25  }
0x1e4: {  	v25 =	vperm.xlane v24, v2;
	_ =	sdelay $0x1  }
0x1e5: {  	v24 =	vmax.f32 v24, v25  }
0x1e6: {  	v25 =	vperm.xlane v24, v3;
	_ =	sdelay $0x1  }
0x1e7: {  	v24 =	vmax.f32 v24, v25  }
0x1e8: {  	vm9 =	veq.f32 v20, v24;
	vm10 =	veq.f32 v23, v24;
	vm11 =	veq.f32 v21, v24  }
0x1e9: {  	vm12 =	veq.f32 v22, v24;
	v25 =	vnsel vm11, $0x40000000, v5  }
0x1ea: {  	v25 =	vsel vm10, v6, v25  }
0x1eb: {  	v25 =	vsel vm9, v7, v25  }
0x1ec: {  	v25 =	vsel vm12, v4, v25  }
0x1ed: {  	v26 =	vperm.xlane v25, v0;
	_ =	sdelay $0x1  }
0x1ee: {  	vm9 =	vlt.s32 v25, v26  }
0x1ef: {  	v25 =	vsel vm9, v25, v26  }
0x1f0: {  	v26 =	vperm.xlane v25, v1;
	_ =	sdelay $0x1  }
0x1f1: {  	vm9 =	vlt.s32 v25, v26  }
0x1f2: {  	v25 =	vsel vm9, v25, v26  }
0x1f3: {  	v26 =	vperm.xlane v25, v2;
	_ =	sdelay $0x1  }
0x1f4: {  	vm9 =	vlt.s32 v25, v26  }
0x1f5: {  	v25 =	vsel vm9, v25, v26  }
0x1f6: {  	v26 =	vperm.xlane v25, v3;
	_ =	sdelay $0x1  }
0x1f7: {  	vm9 =	vlt.s32 v25, v26  }
0x1f8: {  	v25 =	vsel vm9, v25, v26  }
0x1f9: {  	vm9 =	veq.s32 v25, v4;
	vm10 =	veq.s32 v25, v7;
	vm11 =	veq.s32 v25, v6  }
0x1fa: {  	v22 =	vsel vm9, $0xFF61B1E6, v22;
	v20 =	vsel vm10, $0xFF61B1E6, v20;
	vm9 =	veq.s32 v25, v5  }
0x1fb: {  	v23 =	vsel vm11, $0xFF61B1E6, v23;
	v21 =	vsel vm9, $0xFF61B1E6, v21;
	v26 =	vmax.f32 v22, v20  }
0x1fc: {  	v26 =	vmax.f32 v26, v23  }
0x1fd: {  	v26 =	vmax.f32 v26, v21  }
0x1fe: {  	v27 =	vperm.xlane v26, v0;
	_ =	sdelay $0x1  }
0x1ff: {  	v26 =	vmax.f32 v26, v27  }
0x200: {  	v27 =	vperm.xlane v26, v1  }
0x201: {  	v28 =	vnsel vm0, $0x0, v8  }
0x202: {  	v11 =	vsel vm1, v28, v11;
	v26 =	vmax.f32 v26, v27  }
0x203: {  	v11 =	vsel vm2, v11, v13;
	v13 =	vperm.xlane v26, v2  }
0x204: {  	v11 =	vsel vm3, v11, v15  }
0x205: {  	v11 =	vsel vm4, v11, v17;
	v13 =	vmax.f32 v26, v13  }
0x206: {  	v11 =	vsel vm5, v11, v19;
	v15 =	vperm.xlane v13, v3  }
0x207: {  	v11 =	vsel vm6, v11, v24  }
0x208: {  	v13 =	vmax.f32 v13, v15  }
0x209: {  	vm9 =	veq.f32 v22, v13;
	vm10 =	veq.f32 v21, v13;
	v11 =	vsel vm7, v11, v13  }
0x20a: {  	vm11 =	veq.f32 v23, v13;
	v15 =	vnsel vm10, $0x40000000, v5;
	v8 =	vsub.f32 v11, v8  }
0x20b: {  	vm10 =	veq.f32 v20, v13;
	v11 =	vsel vm11, v6, v15  }
0x20c: {  	v11 =	vsel vm10, v7, v11;
	v8 =	vmul.f32 $1.442695020e+00, v8  }
0x20d: {  	v11 =	vsel vm9, v4, v11  }
0x20e: {  	v13 =	vperm.xlane v11, v0;
	(erf) = vpow2.f32 v8;
	_ =	sdelay $0x1  }
0x20f: {  	vm9 =	vlt.s32 v11, v13  }
0x210: {  	v8 =	vsel vm9, v11, v13  }
0x211: {  	v11 =	vperm.xlane v8, v1;
	_ =	sdelay $0x1  }
0x212: {  	vm9 =	vlt.s32 v8, v11  }
0x213: {  	v8 =	vsel vm9, v8, v11  }
0x214: {  	v11 =	vperm.xlane v8, v2  }
0x215: {  	v9 =	vnsel vm0, $0x0, v9;
	v13 =	vpop (erf)  }
0x216: {  	v9 =	vsel vm1, v9, v10;
	vm9 =	vlt.s32 v8, v11;
	v10 =	vnsel vm8, $0x0, v13  }
0x217: {  	v9 =	vsel vm2, v9, v12;
	v8 =	vsel vm9, v8, v11;
	v11 =	vperm.xlane v10, v0  }
0x218: {  	v9 =	vsel vm3, v9, v14;
	v12 =	vperm.xlane v8, v3  }
0x219: {  	v9 =	vsel vm4, v9, v16;
	v11 =	vadd.f32 v10, v11  }
0x21a: {  	v9 =	vsel vm5, v9, v18;
	vm9 =	vlt.s32 v8, v12  }
0x21b: {  	v9 =	vsel vm6, v9, v25;
	v8 =	vsel vm9, v8, v12;
	v12 =	vperm.xlane v11, v1  }
0x21c: {  	v8 =	vsel vm7, v9, v8  }
0x21d: {  	v9 =	vadd.f32 v11, v12;
	[tilespmem:$0x80] =	vst v8;
	_ =	sdelay $0x1  }
0x21e: {  	v8 =	vperm.xlane v9, v2;
	_ =	sdelay $0x1  }
0x21f: {  	v8 =	vadd.f32 v9, v8;
	_ =	sdelay $0x1  }
0x220: {  	v9 =	vperm.xlane v8, v3;
	_ =	sdelay $0x1  }
0x221: {  	v8 =	vadd.f32 v8, v9;
	_ =	sdelay $0x1  }
0x222: {  	(erf) = vrcp.f32 v8;
	_ =	sdelay $0x8  }
0x223: {  	v8 =	vpop (erf)  }
0x224: {  	v8 =	vmul.f32 v8, v10;
	_ =	sdelay $0x1  }
0x225: {  	[tilespmem:$0x100] =	vst v8  }
0x226: {  	[hbm4b:s5+s2] =	stream.linear.scatter [tilespmem:s6], [sflag:$0x1], $0x80, $0x38;
	[tilespmem:$0x180] =	vst v63  }
.Ltmp2:
0x227: {  	_ = 	snop;
	(pc) =	sbr.rel @p0 .LBB2_2-.Ltmp2, $4  }
0x228: {  	_ =	swait.ge [sflag:s3], $0x80  }
0x229: {  	[sflag:s3] =	ssyncset.done $0x0  }
0x22a: {  	[sflag:s3] =	ssyncadd.s32 $0xFFFFFF80  }
0x22b: {  	[hbm4b:s7+s2] =	stream.linear.scatter [tilespmem:s8], [sflag:$0x1], $0x80, $0x38;
	[tilespmem:$0x180] =	vst v63  }
.LBB2_3:
0x22c: {  	_ =	swait.ge [sflag:s3], $0x80  }
0x22d: {  	[sflag:s3] =	ssyncset.done $0x0  }
0x22e: {  	[sflag:s3] =	ssyncadd.s32 $0xFFFFFF80  }
.LBB2_4:
0x22f: {  	_ =	sfence.sel $0x180000  }
0x230: {  	[bflag:$0x0] =	sbarrier.arrive $0xFFFF  }
0x231: {  	p0 =	sne.s32 s1, $0x0;
	_ =	strace $0x90000047  }
0x232: {  	s0 =	sadd.s32 @!p0 $0x100000, s0;
	[bflag:$0x2] =	sbarrier.arrive $0xFFFF  }
0x233: {  	[sflag:s0] =	ssyncadd.tile.s32 @!p0 $0x1;
	_ =	shalt  }
.Lfunc_end2:
_tile_overlayer_lowered:
.L_overlay_start_2:
0x234: {  	(tag) =	ssettag $0x2  }
0x235: {  	s0 =	rddreg [dreg:$0x0];
	s2 =	stileid.u32  }
0x236: {  	s1 =	rddreg [dreg:$0x1];
	p0 =	sne.s32 s2, $0x0  }
0x237: {  	s3 =	rddreg [dreg:$0x2];
	[bflag:$0x3] =	sbarrier.arrive $0xFFFF;
	s2 =	simm.s32 @!p0 $0x1C01  }
0x238: {  	[timem:s3], [sflag:s2] =	dma.local @!p0 [hbm:s0], s1  }
0x239: {  	s0 =	simm.s32 @!p0 $0x1  }
0x23a: {  	_ =	swait.ge @!p0 [sflag:s0], s1  }
0x23b: {  	s1 =	ssub.s32 @!p0 $0x0, s1;
	[sflag:s0] =	ssyncset.done @!p0 $0x0  }
0x23c: {  	[sflag:s0] =	ssyncadd.s32 @!p0 s1  }
0x23d: {  	[bflag:$0x3] =	sbarrier.arrive $0xFFFF  }
0x23e: {  	_ =	shalt  }

</sc_bundles>
